<compile_context>
chip_gen: v7x
topology: tpu7x:2x2x1
jax: 0.10.2.dev20260603
libtpu: 0.0.44.dev20260713+nightly
codegen_flags: <defaults>
</compile_context>

<pallas_src>
import functools

import jax
import jax.numpy as jnp
import numpy as np
from jax import lax
from jax.experimental import pallas as pl
from jax.experimental.pallas import tpu as pltpu
from jax.experimental.pallas import tpu_sc as plsc

B = 16384
F = 26
VOCAB = 100000
D = 50
DP = 64
EPS = 1e-5

NC, NS = 2, 16
NW = NC * NS
TOTAL = B * F
PER_W = TOTAL // NW
CHUNK = 128
NCHUNK = PER_W // CHUNK

HALF = 50008
RB = 7144



def _repack_body(lo_ref, hi_ref, out_ref):
    lo = lo_ref[0]
    hi = hi_ref[0]
    z = jnp.zeros((RB, DP - D), jnp.float32)
    out_ref[0] = jnp.concatenate([lo, z, hi, z], axis=-1)


def _tc_repack(tables):
    return pl.pallas_call(
        _repack_body,
        grid=(F, HALF // RB),
        in_specs=[
            pl.BlockSpec((1, RB, D), lambda f, j: (f, j, 0)),
            pl.BlockSpec((1, RB, D), lambda f, j: (f, j + HALF // RB, 0)),
        ],
        out_specs=pl.BlockSpec((1, RB, 128), lambda f, j: (f, j, 0)),
        out_shape=jax.ShapeDtypeStruct((F, HALF, 128), jnp.float32),
    )(tables, tables)



def _gather_body(x_ref, offs_ref, tab_ref, out_ref,
                 idx_v, offs_v, buf0, buf1, sem0, sem1):
    wid = lax.axis_index("s") * NC + lax.axis_index("c")
    base = wid * NCHUNK

    pltpu.sync_copy(x_ref.at[pl.ds(base, NCHUNK)], idx_v)
    pltpu.sync_copy(offs_ref, offs_v)

    @pl.loop(0, NCHUNK)
    def _add(r):
        for k in range(CHUNK // 16):
            sl = pl.ds(k * 16, 16)
            v = idx_v[r, sl]
            m = ((v - HALF) >> 31) + 1
            vm = v - m * HALF
            idx_v[r, sl] = offs_v[r, sl] + vm * 2 + m

    bufs = (buf0, buf1)
    sems = (sem0, sem1)

    pltpu.async_copy(tab_ref.at[idx_v.at[0]], buf0, sem0)

    @pl.loop(0, NCHUNK, step=2)
    def _chunk(g):
        for b in range(2):
            c = g + b

            @pl.when(c + 1 < NCHUNK)
            def _():
                pltpu.async_copy(tab_ref.at[idx_v.at[c + 1]], bufs[1 - b],
                                 sems[1 - b])

            pltpu.make_async_copy(tab_ref.at[idx_v.at[c]], bufs[b],
                                  sems[b]).wait()
            pltpu.sync_copy(bufs[b], out_ref.at[pl.ds((base + c) * CHUNK, CHUNK)])


def _sc_gather(x_rows, offs_rows, tabp):
    mesh = plsc.VectorSubcoreMesh(core_axis_name="c", subcore_axis_name="s",
                                  num_cores=NC, num_subcores=NS)
    kern = pl.kernel(
        _gather_body,
        out_type=jax.ShapeDtypeStruct((TOTAL, DP), jnp.float32),
        mesh=mesh,
        scratch_types=[
            pltpu.VMEM((NCHUNK, CHUNK), jnp.int32),
            pltpu.VMEM((NCHUNK, CHUNK), jnp.int32),
            pltpu.VMEM((CHUNK, DP), jnp.float32),
            pltpu.VMEM((CHUNK, DP), jnp.float32),
            pltpu.SemaphoreType.DMA,
            pltpu.SemaphoreType.DMA,
        ],
        compiler_params=pltpu.CompilerParams(use_tc_tiling_on_sc=False),
    )
    return kern(x_rows, offs_rows, tabp)



def _stats_body(raw_ref, out_ref):
    i = pl.program_id(0)

    @pl.when(i == 0)
    def _():
        out_ref[...] = jnp.zeros_like(out_ref)

    blk = raw_ref[...]
    s = jnp.sum(blk, axis=0, keepdims=True)
    s2 = jnp.sum(blk * blk, axis=0, keepdims=True)
    out_ref[...] += jnp.concatenate([s, s2], axis=0)


def _norm_body(raw_ref, stats_ref, gamma_ref, beta_ref, out_ref):
    mean = stats_ref[0, :] * (1.0 / B)
    var = stats_ref[1, :] * (1.0 / B) - mean * mean
    scale = gamma_ref[...] * lax.rsqrt(var + EPS)
    shift = beta_ref[...] - mean * scale
    normed = raw_ref[...] * scale[None, :] + shift[None, :]
    parts = [normed[:, f * DP:f * DP + D] for f in range(F)]
    out_ref[...] = jnp.concatenate(parts, axis=1)


def _tc_batchnorm(raw, gamma_p, beta_p):
    bm = 512
    nb = B // bm
    wp = F * DP
    stats = pl.pallas_call(
        _stats_body,
        grid=(nb,),
        in_specs=[pl.BlockSpec((bm, wp), lambda i: (i, 0))],
        out_specs=pl.BlockSpec((2, wp), lambda i: (0, 0)),
        out_shape=jax.ShapeDtypeStruct((2, wp), jnp.float32),
    )(raw)
    out = pl.pallas_call(
        _norm_body,
        grid=(nb,),
        in_specs=[
            pl.BlockSpec((bm, wp), lambda i: (i, 0)),
            pl.BlockSpec((2, wp), lambda i: (0, 0)),
            pl.BlockSpec((wp,), lambda i: (0,)),
            pl.BlockSpec((wp,), lambda i: (0,)),
        ],
        out_specs=pl.BlockSpec((bm, F * D), lambda i: (i, 0)),
        out_shape=jax.ShapeDtypeStruct((B, F * D), jnp.float32),
    )(raw, stats, gamma_p, beta_p)
    return out


def kernel(x, tables, gamma, beta):
    tabp = _tc_repack(tables).reshape(2 * F * HALF, DP)
    x_rows = x.reshape(TOTAL // CHUNK, CHUNK)
    offs = np.tile(np.arange(F, dtype=np.int32) * (2 * HALF), PER_W // F)
    offs_rows = jnp.asarray(offs.reshape(NCHUNK, CHUNK))

    raw = _sc_gather(x_rows, offs_rows, tabp)

    gamma_p = jnp.pad(gamma.reshape(F, D), ((0, 0), (0, DP - D))).reshape(F * DP)
    beta_p = jnp.pad(beta.reshape(F, D), ((0, 0), (0, DP - D))).reshape(F * DP)
    return _tc_batchnorm(raw.reshape(B, F * DP), gamma_p, beta_p)

# --- scband reference (transcript-rebuilt; emitter-appended) ---
"""Pipeline reference for scband-embedding-block-84241488544311 (READ-ONLY COPY).

The authoritative reference and input builder live on the scoring server;
editing this copy changes nothing except your own understanding.
"""

import jax, jax.numpy as jnp
import numpy as np

B = 16384
F = 26
VOCAB = 100000
D = 50  # min(50, (100000+1)//2)
EPS = 1e-5


def setup_inputs(seed: int = 0) -> dict:
    key = jax.random.key(seed)
    k1, k2 = jax.random.split(key)
    x = jax.random.randint(k1, (B, F), 0, VOCAB, dtype=jnp.int32)
    # 26 embedding tables, each (VOCAB+1, 50), stacked into one array
    tables = jax.random.normal(k2, (F, VOCAB + 1, D), dtype=jnp.float32)
    # BatchNorm1d affine params over concatenated dim F*D = 1300
    gamma = jnp.ones((F * D,), dtype=jnp.float32)
    beta = jnp.zeros((F * D,), dtype=jnp.float32)
    return {"x": x, "tables": tables, "gamma": gamma, "beta": beta}


def reference(x, tables, gamma, beta):
    # Per-field embedding lookup (gather), then concat along feature dim
    embs = [tables[i][x[:, i]] for i in range(F)]
    out = jnp.concatenate(embs, axis=1)  # [B, F*D]
    # BatchNorm1d in training mode: batch statistics (biased variance)
    mean = jnp.mean(out, axis=0)
    var = jnp.var(out, axis=0)
    out = (out - mean) / jnp.sqrt(var + EPS) * gamma + beta
    # Dropout treated as identity (deterministic eval-mode reference)
    return out

if __name__ == "__main__":
    import jax
    _d = setup_inputs()
    print(jax.jit(kernel)(*tuple(_d.values())))

</pallas_src>

<mosaic_0001>
#map = affine_map<(d0, d1) -> (0, 0)>
module attributes {stable_mosaic.version = 14 : i64} {
  func.func @_gather_body(%arg0: i32, %arg1: i32, %arg2: memref<3328x128xi32, #tpu.memory_space<hbm>>, %arg3: memref<104x128xi32, #tpu.memory_space<hbm>>, %arg4: memref<2600416x64xf32, #tpu.memory_space<hbm>>, %arg5: memref<425984x64xf32, #tpu.memory_space<hbm>>, %arg6: memref<104x128xi32, #tpu.memory_space<vmem>>, %arg7: memref<104x128xi32, #tpu.memory_space<vmem>>, %arg8: memref<128x64xf32, #tpu.memory_space<vmem>>, %arg9: memref<128x64xf32, #tpu.memory_space<vmem>>, %arg10: memref<!tpu.dma_semaphore, #tpu.memory_space<semaphore_mem>>, %arg11: memref<!tpu.dma_semaphore, #tpu.memory_space<semaphore_mem>>) attributes {dimension_semantics = [#tpu.dimension_semantics<core_parallel>, #tpu.dimension_semantics<subcore_parallel>], iteration_bounds = array<i64: 2, 16>, scalar_prefetch = 0 : i64, scratch_operands = 6 : i64, tpu.core_type = #tpu.core_type<sc_vector_subcore>, window_params = [{transform_indices = #map}, {transform_indices = #map}, {transform_indices = #map}, {transform_indices = #map}]} {
    %mul3A = arith.constant 2 : i32
    %mul3A_0 = arith.muli %arg1, %mul3A : i32
    %add3A = arith.addi %mul3A_0, %arg0 : i32
    %mul3A_1 = arith.constant 104 : i32
    %mul3A_2 = arith.muli %add3A, %mul3A_1 : i32
    "tpu.region"() ({
      %run_scoped3A = tpu.sem_alloc : memref<!tpu.dma_semaphore, #tpu.memory_space<semaphore_mem>>
      %dma_start3A_18 = arith.constant 0 : i32
      %dma_start3A_19 = tpu.memref_slice %arg2[%mul3A_2, %dma_start3A_18] : memref<3328x128xi32, #tpu.memory_space<hbm>> -> memref<104x128xi32, #tpu.memory_space<hbm>>
      %dma_start3A_20 = arith.constant 0 : i32
      %dma_start3A_21 = tpu.memref_slice %arg2[%mul3A_2, %dma_start3A_20] : memref<3328x128xi32, #tpu.memory_space<hbm>> -> memref<104x128xi32, #tpu.memory_space<hbm>>
      tpu.enqueue_dma source(%dma_start3A_21 : memref<104x128xi32, #tpu.memory_space<hbm>>) target(%arg6 : memref<104x128xi32, #tpu.memory_space<vmem>>) target_semaphore(%run_scoped3A : memref<!tpu.dma_semaphore, #tpu.memory_space<semaphore_mem>>)
      %dma_wait3A = arith.constant 0 : i32
      %dma_wait3A_22 = tpu.memref_slice %arg2[%mul3A_2, %dma_wait3A] : memref<3328x128xi32, #tpu.memory_space<hbm>> -> memref<104x128xi32, #tpu.memory_space<hbm>>
      %dma_wait3A_23 = arith.constant 0 : i32
      %dma_wait3A_24 = tpu.memref_slice %arg2[%mul3A_2, %dma_wait3A_23] : memref<3328x128xi32, #tpu.memory_space<hbm>> -> memref<104x128xi32, #tpu.memory_space<hbm>>
      tpu.wait_dma2 semaphore(%run_scoped3A : memref<!tpu.dma_semaphore, #tpu.memory_space<semaphore_mem>>) src(%dma_wait3A_24 : memref<104x128xi32, #tpu.memory_space<hbm>>) dst(%arg6 : memref<104x128xi32, #tpu.memory_space<vmem>>)
      tpu.yield
    }) : () -> ()
    "tpu.region"() ({
      %run_scoped3A = tpu.sem_alloc : memref<!tpu.dma_semaphore, #tpu.memory_space<semaphore_mem>>
      tpu.enqueue_dma source(%arg3 : memref<104x128xi32, #tpu.memory_space<hbm>>) target(%arg7 : memref<104x128xi32, #tpu.memory_space<vmem>>) target_semaphore(%run_scoped3A : memref<!tpu.dma_semaphore, #tpu.memory_space<semaphore_mem>>)
      tpu.wait_dma2 semaphore(%run_scoped3A : memref<!tpu.dma_semaphore, #tpu.memory_space<semaphore_mem>>) src(%arg3 : memref<104x128xi32, #tpu.memory_space<hbm>>) dst(%arg7 : memref<104x128xi32, #tpu.memory_space<vmem>>)
      tpu.yield
    }) : () -> ()
    %scan3A = arith.constant 0 : i32
    %scan3A_3 = arith.constant 104 : i32
    %scan3A_4 = arith.addi %scan3A, %scan3A_3 : i32
    %scan3A_5 = arith.constant 1 : i32
    scf.for %scan3A_18 = %scan3A to %scan3A_4 step %scan3A_5  : i32 {
      %mul3A_19 = arith.constant 1 : i32
      %mul3A_20 = arith.muli %scan3A_18, %mul3A_19 : i32
      %add3A_21 = arith.constant 0 : i32
      %add3A_22 = arith.addi %add3A_21, %mul3A_20 : i32
      %get3A = arith.index_cast %add3A_22 : i32 to index
      %get3A_23 = arith.constant 0 : index
      %get3A_24 = tpu.vector_load %arg6[%get3A, %get3A_23] {strides = array<i32>} : memref<104x128xi32, #tpu.memory_space<vmem>>, vector<1x16xi32>,
      %get3A_25 = vector.shape_cast %get3A_24 : vector<1x16xi32> to vector<16xi32>
      %sub3A = arith.constant 50008 : i32
      %sub3A_26 = vector.broadcast %sub3A : i32 to vector<16xi32>
      %sub3A_27 = arith.subi %get3A_25, %sub3A_26 : vector<16xi32>
      %shift_right_arithmetic3A = arith.constant 31 : i32
      %shift_right_arithmetic3A_28 = vector.broadcast %shift_right_arithmetic3A : i32 to vector<16xi32>
      %shift_right_arithmetic3A_29 = arith.shrsi %sub3A_27, %shift_right_arithmetic3A_28 : vector<16xi32>
      %add3A_30 = arith.constant 1 : i32
      %add3A_31 = vector.broadcast %add3A_30 : i32 to vector<16xi32>
      %add3A_32 = arith.addi %shift_right_arithmetic3A_29, %add3A_31 : vector<16xi32>
      %mul3A_33 = arith.constant 50008 : i32
      %mul3A_34 = vector.broadcast %mul3A_33 : i32 to vector<16xi32>
      %mul3A_35 = arith.muli %add3A_32, %mul3A_34 : vector<16xi32>
      %sub3A_36 = arith.subi %get3A_25, %mul3A_35 : vector<16xi32>
      %get3A_37 = arith.index_cast %add3A_22 : i32 to index
      %get3A_38 = arith.constant 0 : index
      %get3A_39 = tpu.vector_load %arg7[%get3A_37, %get3A_38] {strides = array<i32>} : memref<104x128xi32, #tpu.memory_space<vmem>>, vector<1x16xi32>,
      %get3A_40 = vector.shape_cast %get3A_39 : vector<1x16xi32> to vector<16xi32>
      %mul3A_41 = arith.constant 2 : i32
      %mul3A_42 = vector.broadcast %mul3A_41 : i32 to vector<16xi32>
      %mul3A_43 = arith.muli %sub3A_36, %mul3A_42 : vector<16xi32>
      %add3A_44 = arith.addi %get3A_40, %mul3A_43 : vector<16xi32>
      %add3A_45 = arith.addi %add3A_44, %add3A_32 : vector<16xi32>
      %swap3A = arith.index_cast %add3A_22 : i32 to index
      %swap3A_46 = arith.constant 0 : index
      %swap3A_47 = tpu.vector_load %arg6[%swap3A, %swap3A_46] {strides = array<i32>} : memref<104x128xi32, #tpu.memory_space<vmem>>, vector<1x16xi32>,
      %swap3A_48 = vector.shape_cast %swap3A_47 : vector<1x16xi32> to vector<16xi32>
      %swap3A_49 = vector.shape_cast %add3A_45 : vector<16xi32> to vector<1x16xi32>
      tpu.vector_store %arg6[%swap3A, %swap3A_46], %swap3A_49 {strides = array<i32>} : memref<104x128xi32, #tpu.memory_space<vmem>>, vector<1x16xi32>,
      %get3A_50 = arith.index_cast %add3A_22 : i32 to index
      %get3A_51 = arith.constant 16 : index
      %get3A_52 = tpu.vector_load %arg6[%get3A_50, %get3A_51] {strides = array<i32>} : memref<104x128xi32, #tpu.memory_space<vmem>>, vector<1x16xi32>,
      %get3A_53 = vector.shape_cast %get3A_52 : vector<1x16xi32> to vector<16xi32>
      %sub3A_54 = arith.constant 50008 : i32
      %sub3A_55 = vector.broadcast %sub3A_54 : i32 to vector<16xi32>
      %sub3A_56 = arith.subi %get3A_53, %sub3A_55 : vector<16xi32>
      %shift_right_arithmetic3A_57 = arith.constant 31 : i32
      %shift_right_arithmetic3A_58 = vector.broadcast %shift_right_arithmetic3A_57 : i32 to vector<16xi32>
      %shift_right_arithmetic3A_59 = arith.shrsi %sub3A_56, %shift_right_arithmetic3A_58 : vector<16xi32>
      %add3A_60 = arith.constant 1 : i32
      %add3A_61 = vector.broadcast %add3A_60 : i32 to vector<16xi32>
      %add3A_62 = arith.addi %shift_right_arithmetic3A_59, %add3A_61 : vector<16xi32>
      %mul3A_63 = arith.constant 50008 : i32
      %mul3A_64 = vector.broadcast %mul3A_63 : i32 to vector<16xi32>
      %mul3A_65 = arith.muli %add3A_62, %mul3A_64 : vector<16xi32>
      %sub3A_66 = arith.subi %get3A_53, %mul3A_65 : vector<16xi32>
      %get3A_67 = arith.index_cast %add3A_22 : i32 to index
      %get3A_68 = arith.constant 16 : index
      %get3A_69 = tpu.vector_load %arg7[%get3A_67, %get3A_68] {strides = array<i32>} : memref<104x128xi32, #tpu.memory_space<vmem>>, vector<1x16xi32>,
      %get3A_70 = vector.shape_cast %get3A_69 : vector<1x16xi32> to vector<16xi32>
      %mul3A_71 = arith.constant 2 : i32
      %mul3A_72 = vector.broadcast %mul3A_71 : i32 to vector<16xi32>
      %mul3A_73 = arith.muli %sub3A_66, %mul3A_72 : vector<16xi32>
      %add3A_74 = arith.addi %get3A_70, %mul3A_73 : vector<16xi32>
      %add3A_75 = arith.addi %add3A_74, %add3A_62 : vector<16xi32>
      %swap3A_76 = arith.index_cast %add3A_22 : i32 to index
      %swap3A_77 = arith.constant 16 : index
      %swap3A_78 = tpu.vector_load %arg6[%swap3A_76, %swap3A_77] {strides = array<i32>} : memref<104x128xi32, #tpu.memory_space<vmem>>, vector<1x16xi32>,
      %swap3A_79 = vector.shape_cast %swap3A_78 : vector<1x16xi32> to vector<16xi32>
      %swap3A_80 = vector.shape_cast %add3A_75 : vector<16xi32> to vector<1x16xi32>
      tpu.vector_store %arg6[%swap3A_76, %swap3A_77], %swap3A_80 {strides = array<i32>} : memref<104x128xi32, #tpu.memory_space<vmem>>, vector<1x16xi32>,
      %get3A_81 = arith.index_cast %add3A_22 : i32 to index
      %get3A_82 = arith.constant 32 : index
      %get3A_83 = tpu.vector_load %arg6[%get3A_81, %get3A_82] {strides = array<i32>} : memref<104x128xi32, #tpu.memory_space<vmem>>, vector<1x16xi32>,
      %get3A_84 = vector.shape_cast %get3A_83 : vector<1x16xi32> to vector<16xi32>
      %sub3A_85 = arith.constant 50008 : i32
      %sub3A_86 = vector.broadcast %sub3A_85 : i32 to vector<16xi32>
      %sub3A_87 = arith.subi %get3A_84, %sub3A_86 : vector<16xi32>
      %shift_right_arithmetic3A_88 = arith.constant 31 : i32
      %shift_right_arithmetic3A_89 = vector.broadcast %shift_right_arithmetic3A_88 : i32 to vector<16xi32>
      %shift_right_arithmetic3A_90 = arith.shrsi %sub3A_87, %shift_right_arithmetic3A_89 : vector<16xi32>
      %add3A_91 = arith.constant 1 : i32
      %add3A_92 = vector.broadcast %add3A_91 : i32 to vector<16xi32>
      %add3A_93 = arith.addi %shift_right_arithmetic3A_90, %add3A_92 : vector<16xi32>
      %mul3A_94 = arith.constant 50008 : i32
      %mul3A_95 = vector.broadcast %mul3A_94 : i32 to vector<16xi32>
      %mul3A_96 = arith.muli %add3A_93, %mul3A_95 : vector<16xi32>
      %sub3A_97 = arith.subi %get3A_84, %mul3A_96 : vector<16xi32>
      %get3A_98 = arith.index_cast %add3A_22 : i32 to index
      %get3A_99 = arith.constant 32 : index
      %get3A_100 = tpu.vector_load %arg7[%get3A_98, %get3A_99] {strides = array<i32>} : memref<104x128xi32, #tpu.memory_space<vmem>>, vector<1x16xi32>,
      %get3A_101 = vector.shape_cast %get3A_100 : vector<1x16xi32> to vector<16xi32>
      %mul3A_102 = arith.constant 2 : i32
      %mul3A_103 = vector.broadcast %mul3A_102 : i32 to vector<16xi32>
      %mul3A_104 = arith.muli %sub3A_97, %mul3A_103 : vector<16xi32>
      %add3A_105 = arith.addi %get3A_101, %mul3A_104 : vector<16xi32>
      %add3A_106 = arith.addi %add3A_105, %add3A_93 : vector<16xi32>
      %swap3A_107 = arith.index_cast %add3A_22 : i32 to index
      %swap3A_108 = arith.constant 32 : index
      %swap3A_109 = tpu.vector_load %arg6[%swap3A_107, %swap3A_108] {strides = array<i32>} : memref<104x128xi32, #tpu.memory_space<vmem>>, vector<1x16xi32>,
      %swap3A_110 = vector.shape_cast %swap3A_109 : vector<1x16xi32> to vector<16xi32>
      %swap3A_111 = vector.shape_cast %add3A_106 : vector<16xi32> to vector<1x16xi32>
      tpu.vector_store %arg6[%swap3A_107, %swap3A_108], %swap3A_111 {strides = array<i32>} : memref<104x128xi32, #tpu.memory_space<vmem>>, vector<1x16xi32>,
      %get3A_112 = arith.index_cast %add3A_22 : i32 to index
      %get3A_113 = arith.constant 48 : index
      %get3A_114 = tpu.vector_load %arg6[%get3A_112, %get3A_113] {strides = array<i32>} : memref<104x128xi32, #tpu.memory_space<vmem>>, vector<1x16xi32>,
      %get3A_115 = vector.shape_cast %get3A_114 : vector<1x16xi32> to vector<16xi32>
      %sub3A_116 = arith.constant 50008 : i32
      %sub3A_117 = vector.broadcast %sub3A_116 : i32 to vector<16xi32>
      %sub3A_118 = arith.subi %get3A_115, %sub3A_117 : vector<16xi32>
      %shift_right_arithmetic3A_119 = arith.constant 31 : i32
      %shift_right_arithmetic3A_120 = vector.broadcast %shift_right_arithmetic3A_119 : i32 to vector<16xi32>
      %shift_right_arithmetic3A_121 = arith.shrsi %sub3A_118, %shift_right_arithmetic3A_120 : vector<16xi32>
      %add3A_122 = arith.constant 1 : i32
      %add3A_123 = vector.broadcast %add3A_122 : i32 to vector<16xi32>
      %add3A_124 = arith.addi %shift_right_arithmetic3A_121, %add3A_123 : vector<16xi32>
      %mul3A_125 = arith.constant 50008 : i32
      %mul3A_126 = vector.broadcast %mul3A_125 : i32 to vector<16xi32>
      %mul3A_127 = arith.muli %add3A_124, %mul3A_126 : vector<16xi32>
      %sub3A_128 = arith.subi %get3A_115, %mul3A_127 : vector<16xi32>
      %get3A_129 = arith.index_cast %add3A_22 : i32 to index
      %get3A_130 = arith.constant 48 : index
      %get3A_131 = tpu.vector_load %arg7[%get3A_129, %get3A_130] {strides = array<i32>} : memref<104x128xi32, #tpu.memory_space<vmem>>, vector<1x16xi32>,
      %get3A_132 = vector.shape_cast %get3A_131 : vector<1x16xi32> to vector<16xi32>
      %mul3A_133 = arith.constant 2 : i32
      %mul3A_134 = vector.broadcast %mul3A_133 : i32 to vector<16xi32>
      %mul3A_135 = arith.muli %sub3A_128, %mul3A_134 : vector<16xi32>
      %add3A_136 = arith.addi %get3A_132, %mul3A_135 : vector<16xi32>
      %add3A_137 = arith.addi %add3A_136, %add3A_124 : vector<16xi32>
      %swap3A_138 = arith.index_cast %add3A_22 : i32 to index
      %swap3A_139 = arith.constant 48 : index
      %swap3A_140 = tpu.vector_load %arg6[%swap3A_138, %swap3A_139] {strides = array<i32>} : memref<104x128xi32, #tpu.memory_space<vmem>>, vector<1x16xi32>,
      %swap3A_141 = vector.shape_cast %swap3A_140 : vector<1x16xi32> to vector<16xi32>
      %swap3A_142 = vector.shape_cast %add3A_137 : vector<16xi32> to vector<1x16xi32>
      tpu.vector_store %arg6[%swap3A_138, %swap3A_139], %swap3A_142 {strides = array<i32>} : memref<104x128xi32, #tpu.memory_space<vmem>>, vector<1x16xi32>,
      %get3A_143 = arith.index_cast %add3A_22 : i32 to index
      %get3A_144 = arith.constant 64 : index
      %get3A_145 = tpu.vector_load %arg6[%get3A_143, %get3A_144] {strides = array<i32>} : memref<104x128xi32, #tpu.memory_space<vmem>>, vector<1x16xi32>,
      %get3A_146 = vector.shape_cast %get3A_145 : vector<1x16xi32> to vector<16xi32>
      %sub3A_147 = arith.constant 50008 : i32
      %sub3A_148 = vector.broadcast %sub3A_147 : i32 to vector<16xi32>
      %sub3A_149 = arith.subi %get3A_146, %sub3A_148 : vector<16xi32>
      %shift_right_arithmetic3A_150 = arith.constant 31 : i32
      %shift_right_arithmetic3A_151 = vector.broadcast %shift_right_arithmetic3A_150 : i32 to vector<16xi32>
      %shift_right_arithmetic3A_152 = arith.shrsi %sub3A_149, %shift_right_arithmetic3A_151 : vector<16xi32>
      %add3A_153 = arith.constant 1 : i32
      %add3A_154 = vector.broadcast %add3A_153 : i32 to vector<16xi32>
      %add3A_155 = arith.addi %shift_right_arithmetic3A_152, %add3A_154 : vector<16xi32>
      %mul3A_156 = arith.constant 50008 : i32
      %mul3A_157 = vector.broadcast %mul3A_156 : i32 to vector<16xi32>
      %mul3A_158 = arith.muli %add3A_155, %mul3A_157 : vector<16xi32>
      %sub3A_159 = arith.subi %get3A_146, %mul3A_158 : vector<16xi32>
      %get3A_160 = arith.index_cast %add3A_22 : i32 to index
      %get3A_161 = arith.constant 64 : index
      %get3A_162 = tpu.vector_load %arg7[%get3A_160, %get3A_161] {strides = array<i32>} : memref<104x128xi32, #tpu.memory_space<vmem>>, vector<1x16xi32>,
      %get3A_163 = vector.shape_cast %get3A_162 : vector<1x16xi32> to vector<16xi32>
      %mul3A_164 = arith.constant 2 : i32
      %mul3A_165 = vector.broadcast %mul3A_164 : i32 to vector<16xi32>
      %mul3A_166 = arith.muli %sub3A_159, %mul3A_165 : vector<16xi32>
      %add3A_167 = arith.addi %get3A_163, %mul3A_166 : vector<16xi32>
      %add3A_168 = arith.addi %add3A_167, %add3A_155 : vector<16xi32>
      %swap3A_169 = arith.index_cast %add3A_22 : i32 to index
      %swap3A_170 = arith.constant 64 : index
      %swap3A_171 = tpu.vector_load %arg6[%swap3A_169, %swap3A_170] {strides = array<i32>} : memref<104x128xi32, #tpu.memory_space<vmem>>, vector<1x16xi32>,
      %swap3A_172 = vector.shape_cast %swap3A_171 : vector<1x16xi32> to vector<16xi32>
      %swap3A_173 = vector.shape_cast %add3A_168 : vector<16xi32> to vector<1x16xi32>
      tpu.vector_store %arg6[%swap3A_169, %swap3A_170], %swap3A_173 {strides = array<i32>} : memref<104x128xi32, #tpu.memory_space<vmem>>, vector<1x16xi32>,
      %get3A_174 = arith.index_cast %add3A_22 : i32 to index
      %get3A_175 = arith.constant 80 : index
      %get3A_176 = tpu.vector_load %arg6[%get3A_174, %get3A_175] {strides = array<i32>} : memref<104x128xi32, #tpu.memory_space<vmem>>, vector<1x16xi32>,
      %get3A_177 = vector.shape_cast %get3A_176 : vector<1x16xi32> to vector<16xi32>
      %sub3A_178 = arith.constant 50008 : i32
      %sub3A_179 = vector.broadcast %sub3A_178 : i32 to vector<16xi32>
      %sub3A_180 = arith.subi %get3A_177, %sub3A_179 : vector<16xi32>
      %shift_right_arithmetic3A_181 = arith.constant 31 : i32
      %shift_right_arithmetic3A_182 = vector.broadcast %shift_right_arithmetic3A_181 : i32 to vector<16xi32>
      %shift_right_arithmetic3A_183 = arith.shrsi %sub3A_180, %shift_right_arithmetic3A_182 : vector<16xi32>
      %add3A_184 = arith.constant 1 : i32
      %add3A_185 = vector.broadcast %add3A_184 : i32 to vector<16xi32>
      %add3A_186 = arith.addi %shift_right_arithmetic3A_183, %add3A_185 : vector<16xi32>
      %mul3A_187 = arith.constant 50008 : i32
      %mul3A_188 = vector.broadcast %mul3A_187 : i32 to vector<16xi32>
      %mul3A_189 = arith.muli %add3A_186, %mul3A_188 : vector<16xi32>
      %sub3A_190 = arith.subi %get3A_177, %mul3A_189 : vector<16xi32>
      %get3A_191 = arith.index_cast %add3A_22 : i32 to index
      %get3A_192 = arith.constant 80 : index
      %get3A_193 = tpu.vector_load %arg7[%get3A_191, %get3A_192] {strides = array<i32>} : memref<104x128xi32, #tpu.memory_space<vmem>>, vector<1x16xi32>,
      %get3A_194 = vector.shape_cast %get3A_193 : vector<1x16xi32> to vector<16xi32>
      %mul3A_195 = arith.constant 2 : i32
      %mul3A_196 = vector.broadcast %mul3A_195 : i32 to vector<16xi32>
      %mul3A_197 = arith.muli %sub3A_190, %mul3A_196 : vector<16xi32>
      %add3A_198 = arith.addi %get3A_194, %mul3A_197 : vector<16xi32>
      %add3A_199 = arith.addi %add3A_198, %add3A_186 : vector<16xi32>
      %swap3A_200 = arith.index_cast %add3A_22 : i32 to index
      %swap3A_201 = arith.constant 80 : index
      %swap3A_202 = tpu.vector_load %arg6[%swap3A_200, %swap3A_201] {strides = array<i32>} : memref<104x128xi32, #tpu.memory_space<vmem>>, vector<1x16xi32>,
      %swap3A_203 = vector.shape_cast %swap3A_202 : vector<1x16xi32> to vector<16xi32>
      %swap3A_204 = vector.shape_cast %add3A_199 : vector<16xi32> to vector<1x16xi32>
      tpu.vector_store %arg6[%swap3A_200, %swap3A_201], %swap3A_204 {strides = array<i32>} : memref<104x128xi32, #tpu.memory_space<vmem>>, vector<1x16xi32>,
      %get3A_205 = arith.index_cast %add3A_22 : i32 to index
      %get3A_206 = arith.constant 96 : index
      %get3A_207 = tpu.vector_load %arg6[%get3A_205, %get3A_206] {strides = array<i32>} : memref<104x128xi32, #tpu.memory_space<vmem>>, vector<1x16xi32>,
      %get3A_208 = vector.shape_cast %get3A_207 : vector<1x16xi32> to vector<16xi32>
      %sub3A_209 = arith.constant 50008 : i32
      %sub3A_210 = vector.broadcast %sub3A_209 : i32 to vector<16xi32>
      %sub3A_211 = arith.subi %get3A_208, %sub3A_210 : vector<16xi32>
      %shift_right_arithmetic3A_212 = arith.constant 31 : i32
      %shift_right_arithmetic3A_213 = vector.broadcast %shift_right_arithmetic3A_212 : i32 to vector<16xi32>
      %shift_right_arithmetic3A_214 = arith.shrsi %sub3A_211, %shift_right_arithmetic3A_213 : vector<16xi32>
      %add3A_215 = arith.constant 1 : i32
      %add3A_216 = vector.broadcast %add3A_215 : i32 to vector<16xi32>
      %add3A_217 = arith.addi %shift_right_arithmetic3A_214, %add3A_216 : vector<16xi32>
      %mul3A_218 = arith.constant 50008 : i32
      %mul3A_219 = vector.broadcast %mul3A_218 : i32 to vector<16xi32>
      %mul3A_220 = arith.muli %add3A_217, %mul3A_219 : vector<16xi32>
      %sub3A_221 = arith.subi %get3A_208, %mul3A_220 : vector<16xi32>
      %get3A_222 = arith.index_cast %add3A_22 : i32 to index
      %get3A_223 = arith.constant 96 : index
      %get3A_224 = tpu.vector_load %arg7[%get3A_222, %get3A_223] {strides = array<i32>} : memref<104x128xi32, #tpu.memory_space<vmem>>, vector<1x16xi32>,
      %get3A_225 = vector.shape_cast %get3A_224 : vector<1x16xi32> to vector<16xi32>
      %mul3A_226 = arith.constant 2 : i32
      %mul3A_227 = vector.broadcast %mul3A_226 : i32 to vector<16xi32>
      %mul3A_228 = arith.muli %sub3A_221, %mul3A_227 : vector<16xi32>
      %add3A_229 = arith.addi %get3A_225, %mul3A_228 : vector<16xi32>
      %add3A_230 = arith.addi %add3A_229, %add3A_217 : vector<16xi32>
      %swap3A_231 = arith.index_cast %add3A_22 : i32 to index
      %swap3A_232 = arith.constant 96 : index
      %swap3A_233 = tpu.vector_load %arg6[%swap3A_231, %swap3A_232] {strides = array<i32>} : memref<104x128xi32, #tpu.memory_space<vmem>>, vector<1x16xi32>,
      %swap3A_234 = vector.shape_cast %swap3A_233 : vector<1x16xi32> to vector<16xi32>
      %swap3A_235 = vector.shape_cast %add3A_230 : vector<16xi32> to vector<1x16xi32>
      tpu.vector_store %arg6[%swap3A_231, %swap3A_232], %swap3A_235 {strides = array<i32>} : memref<104x128xi32, #tpu.memory_space<vmem>>, vector<1x16xi32>,
      %get3A_236 = arith.index_cast %add3A_22 : i32 to index
      %get3A_237 = arith.constant 112 : index
      %get3A_238 = tpu.vector_load %arg6[%get3A_236, %get3A_237] {strides = array<i32>} : memref<104x128xi32, #tpu.memory_space<vmem>>, vector<1x16xi32>,
      %get3A_239 = vector.shape_cast %get3A_238 : vector<1x16xi32> to vector<16xi32>
      %sub3A_240 = arith.constant 50008 : i32
      %sub3A_241 = vector.broadcast %sub3A_240 : i32 to vector<16xi32>
      %sub3A_242 = arith.subi %get3A_239, %sub3A_241 : vector<16xi32>
      %shift_right_arithmetic3A_243 = arith.constant 31 : i32
      %shift_right_arithmetic3A_244 = vector.broadcast %shift_right_arithmetic3A_243 : i32 to vector<16xi32>
      %shift_right_arithmetic3A_245 = arith.shrsi %sub3A_242, %shift_right_arithmetic3A_244 : vector<16xi32>
      %add3A_246 = arith.constant 1 : i32
      %add3A_247 = vector.broadcast %add3A_246 : i32 to vector<16xi32>
      %add3A_248 = arith.addi %shift_right_arithmetic3A_245, %add3A_247 : vector<16xi32>
      %mul3A_249 = arith.constant 50008 : i32
      %mul3A_250 = vector.broadcast %mul3A_249 : i32 to vector<16xi32>
      %mul3A_251 = arith.muli %add3A_248, %mul3A_250 : vector<16xi32>
      %sub3A_252 = arith.subi %get3A_239, %mul3A_251 : vector<16xi32>
      %get3A_253 = arith.index_cast %add3A_22 : i32 to index
      %get3A_254 = arith.constant 112 : index
      %get3A_255 = tpu.vector_load %arg7[%get3A_253, %get3A_254] {strides = array<i32>} : memref<104x128xi32, #tpu.memory_space<vmem>>, vector<1x16xi32>,
      %get3A_256 = vector.shape_cast %get3A_255 : vector<1x16xi32> to vector<16xi32>
      %mul3A_257 = arith.constant 2 : i32
      %mul3A_258 = vector.broadcast %mul3A_257 : i32 to vector<16xi32>
      %mul3A_259 = arith.muli %sub3A_252, %mul3A_258 : vector<16xi32>
      %add3A_260 = arith.addi %get3A_256, %mul3A_259 : vector<16xi32>
      %add3A_261 = arith.addi %add3A_260, %add3A_248 : vector<16xi32>
      %swap3A_262 = arith.index_cast %add3A_22 : i32 to index
      %swap3A_263 = arith.constant 112 : index
      %swap3A_264 = tpu.vector_load %arg6[%swap3A_262, %swap3A_263] {strides = array<i32>} : memref<104x128xi32, #tpu.memory_space<vmem>>, vector<1x16xi32>,
      %swap3A_265 = vector.shape_cast %swap3A_264 : vector<1x16xi32> to vector<16xi32>
      %swap3A_266 = vector.shape_cast %add3A_261 : vector<16xi32> to vector<1x16xi32>
      tpu.vector_store %arg6[%swap3A_262, %swap3A_263], %swap3A_266 {strides = array<i32>} : memref<104x128xi32, #tpu.memory_space<vmem>>, vector<1x16xi32>,
    }
    %scan3A_6 = arith.constant 104 : i32
    %dma_start3A = arith.constant 0 : i32
    %dma_start3A_7 = arith.constant 0 : i32
    %dma_start3A_8 = tpu.memref_slice %arg6[%dma_start3A, %dma_start3A_7] : memref<104x128xi32, #tpu.memory_space<vmem>> -> memref<1x128xi32, #tpu.memory_space<vmem>>
    %dma_start3A_9 = tpu.memref_squeeze %dma_start3A_8 : memref<1x128xi32, #tpu.memory_space<vmem>> -> memref<128xi32, #tpu.memory_space<vmem>>
    %dma_start3A_10 = arith.constant 0 : i32
    %dma_start3A_11 = arith.constant 0 : i32
    %dma_start3A_12 = tpu.memref_slice %arg4[%dma_start3A_10, %dma_start3A_11] : memref<2600416x64xf32, #tpu.memory_space<hbm>> -> memref<2600416x64xf32, #tpu.memory_space<hbm>>
    tpu.enqueue_indirect_dma source(%dma_start3A_12 : memref<2600416x64xf32, #tpu.memory_space<hbm>>) target(%arg8 : memref<128x64xf32, #tpu.memory_space<vmem>>) offsets(%dma_start3A_9 : memref<128xi32, #tpu.memory_space<vmem>>) semaphore(%arg10 : memref<!tpu.dma_semaphore, #tpu.memory_space<semaphore_mem>>)
    %scan3A_13 = arith.constant 0 : i32
    %scan3A_14 = arith.constant 52 : i32
    %scan3A_15 = arith.addi %scan3A_13, %scan3A_14 : i32
    %scan3A_16 = arith.constant 1 : i32
    scf.for %scan3A_18 = %scan3A_13 to %scan3A_15 step %scan3A_16  : i32 {
      %mul3A_19 = arith.constant 2 : i32
      %mul3A_20 = arith.muli %scan3A_18, %mul3A_19 : i32
      %add3A_21 = arith.constant 0 : i32
      %add3A_22 = arith.addi %add3A_21, %mul3A_20 : i32
      %add3A_23 = arith.constant 0 : i32
      %add3A_24 = arith.addi %add3A_22, %add3A_23 : i32
      %add3A_25 = arith.constant 1 : i32
      %add3A_26 = arith.addi %add3A_24, %add3A_25 : i32
      %lt3A = arith.constant 104 : i32
      %lt3A_27 = arith.cmpi slt, %add3A_26, %lt3A : i32
      %convert_element_type3A = arith.extui %lt3A_27 : i1 to i32
      %cond3A = arith.constant 0 : i32
      %cond3A_28 = arith.cmpi ne, %convert_element_type3A, %cond3A : i32
      scf.if %cond3A_28 {
        %add3A_55 = arith.constant 1 : i32
        %add3A_56 = arith.addi %add3A_24, %add3A_55 : i32
        %dma_start3A_57 = arith.constant 0 : i32
        %dma_start3A_58 = tpu.memref_slice %arg6[%add3A_56, %dma_start3A_57] : memref<104x128xi32, #tpu.memory_space<vmem>> -> memref<1x128xi32, #tpu.memory_space<vmem>>
        %dma_start3A_59 = tpu.memref_squeeze %dma_start3A_58 : memref<1x128xi32, #tpu.memory_space<vmem>> -> memref<128xi32, #tpu.memory_space<vmem>>
        %dma_start3A_60 = arith.constant 0 : i32
        %dma_start3A_61 = arith.constant 0 : i32
        %dma_start3A_62 = tpu.memref_slice %arg4[%dma_start3A_60, %dma_start3A_61] : memref<2600416x64xf32, #tpu.memory_space<hbm>> -> memref<2600416x64xf32, #tpu.memory_space<hbm>>
        tpu.enqueue_indirect_dma source(%dma_start3A_62 : memref<2600416x64xf32, #tpu.memory_space<hbm>>) target(%arg9 : memref<128x64xf32, #tpu.memory_space<vmem>>) offsets(%dma_start3A_59 : memref<128xi32, #tpu.memory_space<vmem>>) semaphore(%arg11 : memref<!tpu.dma_semaphore, #tpu.memory_space<semaphore_mem>>)
      } else {
      }
      %dma_wait3A = arith.constant 0 : i32
      %dma_wait3A_29 = tpu.memref_slice %arg6[%add3A_24, %dma_wait3A] : memref<104x128xi32, #tpu.memory_space<vmem>> -> memref<1x128xi32, #tpu.memory_space<vmem>>
      %dma_wait3A_30 = tpu.memref_squeeze %dma_wait3A_29 : memref<1x128xi32, #tpu.memory_space<vmem>> -> memref<128xi32, #tpu.memory_space<vmem>>
      %dma_wait3A_31 = arith.constant 0 : i32
      %dma_wait3A_32 = arith.constant 0 : i32
      %dma_wait3A_33 = tpu.memref_slice %arg4[%dma_wait3A_31, %dma_wait3A_32] : memref<2600416x64xf32, #tpu.memory_space<hbm>> -> memref<2600416x64xf32, #tpu.memory_space<hbm>>
      tpu.wait_indirect_dma semaphore(%arg10 : memref<!tpu.dma_semaphore, #tpu.memory_space<semaphore_mem>>) src(%dma_wait3A_33 : memref<2600416x64xf32, #tpu.memory_space<hbm>>) dst(%arg8 : memref<128x64xf32, #tpu.memory_space<vmem>>)
      %add3A_34 = arith.addi %mul3A_2, %add3A_24 : i32
      %mul3A_35 = arith.constant 128 : i32
      %mul3A_36 = arith.muli %add3A_34, %mul3A_35 : i32
      "tpu.region"() ({
        %run_scoped3A = tpu.sem_alloc : memref<!tpu.dma_semaphore, #tpu.memory_space<semaphore_mem>>
        %dma_start3A_55 = arith.constant 0 : i32
        %dma_start3A_56 = tpu.memref_slice %arg5[%mul3A_36, %dma_start3A_55] : memref<425984x64xf32, #tpu.memory_space<hbm>> -> memref<128x64xf32, #tpu.memory_space<hbm>>
        %dma_start3A_57 = arith.constant 0 : i32
        %dma_start3A_58 = tpu.memref_slice %arg5[%mul3A_36, %dma_start3A_57] : memref<425984x64xf32, #tpu.memory_space<hbm>> -> memref<128x64xf32, #tpu.memory_space<hbm>>
        tpu.enqueue_dma source(%arg8 : memref<128x64xf32, #tpu.memory_space<vmem>>) target(%dma_start3A_58 : memref<128x64xf32, #tpu.memory_space<hbm>>) target_semaphore(%run_scoped3A : memref<!tpu.dma_semaphore, #tpu.memory_space<semaphore_mem>>)
        %dma_wait3A_59 = arith.constant 0 : i32
        %dma_wait3A_60 = tpu.memref_slice %arg5[%mul3A_36, %dma_wait3A_59] : memref<425984x64xf32, #tpu.memory_space<hbm>> -> memref<128x64xf32, #tpu.memory_space<hbm>>
        %dma_wait3A_61 = arith.constant 0 : i32
        %dma_wait3A_62 = tpu.memref_slice %arg5[%mul3A_36, %dma_wait3A_61] : memref<425984x64xf32, #tpu.memory_space<hbm>> -> memref<128x64xf32, #tpu.memory_space<hbm>>
        tpu.wait_dma2 semaphore(%run_scoped3A : memref<!tpu.dma_semaphore, #tpu.memory_space<semaphore_mem>>) src(%arg8 : memref<128x64xf32, #tpu.memory_space<vmem>>) dst(%dma_wait3A_62 : memref<128x64xf32, #tpu.memory_space<hbm>>)
        tpu.yield
      }) : () -> ()
      %add3A_37 = arith.constant 1 : i32
      %add3A_38 = arith.addi %add3A_22, %add3A_37 : i32
      %add3A_39 = arith.constant 1 : i32
      %add3A_40 = arith.addi %add3A_38, %add3A_39 : i32
      %lt3A_41 = arith.constant 104 : i32
      %lt3A_42 = arith.cmpi slt, %add3A_40, %lt3A_41 : i32
      %convert_element_type3A_43 = arith.extui %lt3A_42 : i1 to i32
      %cond3A_44 = arith.constant 0 : i32
      %cond3A_45 = arith.cmpi ne, %convert_element_type3A_43, %cond3A_44 : i32
      scf.if %cond3A_45 {
        %add3A_55 = arith.constant 1 : i32
        %add3A_56 = arith.addi %add3A_38, %add3A_55 : i32
        %dma_start3A_57 = arith.constant 0 : i32
        %dma_start3A_58 = tpu.memref_slice %arg6[%add3A_56, %dma_start3A_57] : memref<104x128xi32, #tpu.memory_space<vmem>> -> memref<1x128xi32, #tpu.memory_space<vmem>>
        %dma_start3A_59 = tpu.memref_squeeze %dma_start3A_58 : memref<1x128xi32, #tpu.memory_space<vmem>> -> memref<128xi32, #tpu.memory_space<vmem>>
        %dma_start3A_60 = arith.constant 0 : i32
        %dma_start3A_61 = arith.constant 0 : i32
        %dma_start3A_62 = tpu.memref_slice %arg4[%dma_start3A_60, %dma_start3A_61] : memref<2600416x64xf32, #tpu.memory_space<hbm>> -> memref<2600416x64xf32, #tpu.memory_space<hbm>>
        tpu.enqueue_indirect_dma source(%dma_start3A_62 : memref<2600416x64xf32, #tpu.memory_space<hbm>>) target(%arg8 : memref<128x64xf32, #tpu.memory_space<vmem>>) offsets(%dma_start3A_59 : memref<128xi32, #tpu.memory_space<vmem>>) semaphore(%arg10 : memref<!tpu.dma_semaphore, #tpu.memory_space<semaphore_mem>>)
      } else {
      }
      %dma_wait3A_46 = arith.constant 0 : i32
      %dma_wait3A_47 = tpu.memref_slice %arg6[%add3A_38, %dma_wait3A_46] : memref<104x128xi32, #tpu.memory_space<vmem>> -> memref<1x128xi32, #tpu.memory_space<vmem>>
      %dma_wait3A_48 = tpu.memref_squeeze %dma_wait3A_47 : memref<1x128xi32, #tpu.memory_space<vmem>> -> memref<128xi32, #tpu.memory_space<vmem>>
      %dma_wait3A_49 = arith.constant 0 : i32
      %dma_wait3A_50 = arith.constant 0 : i32
      %dma_wait3A_51 = tpu.memref_slice %arg4[%dma_wait3A_49, %dma_wait3A_50] : memref<2600416x64xf32, #tpu.memory_space<hbm>> -> memref<2600416x64xf32, #tpu.memory_space<hbm>>
      tpu.wait_indirect_dma semaphore(%arg11 : memref<!tpu.dma_semaphore, #tpu.memory_space<semaphore_mem>>) src(%dma_wait3A_51 : memref<2600416x64xf32, #tpu.memory_space<hbm>>) dst(%arg9 : memref<128x64xf32, #tpu.memory_space<vmem>>)
      %add3A_52 = arith.addi %mul3A_2, %add3A_38 : i32
      %mul3A_53 = arith.constant 128 : i32
      %mul3A_54 = arith.muli %add3A_52, %mul3A_53 : i32
      "tpu.region"() ({
        %run_scoped3A = tpu.sem_alloc : memref<!tpu.dma_semaphore, #tpu.memory_space<semaphore_mem>>
        %dma_start3A_55 = arith.constant 0 : i32
        %dma_start3A_56 = tpu.memref_slice %arg5[%mul3A_54, %dma_start3A_55] : memref<425984x64xf32, #tpu.memory_space<hbm>> -> memref<128x64xf32, #tpu.memory_space<hbm>>
        %dma_start3A_57 = arith.constant 0 : i32
        %dma_start3A_58 = tpu.memref_slice %arg5[%mul3A_54, %dma_start3A_57] : memref<425984x64xf32, #tpu.memory_space<hbm>> -> memref<128x64xf32, #tpu.memory_space<hbm>>
        tpu.enqueue_dma source(%arg9 : memref<128x64xf32, #tpu.memory_space<vmem>>) target(%dma_start3A_58 : memref<128x64xf32, #tpu.memory_space<hbm>>) target_semaphore(%run_scoped3A : memref<!tpu.dma_semaphore, #tpu.memory_space<semaphore_mem>>)
        %dma_wait3A_59 = arith.constant 0 : i32
        %dma_wait3A_60 = tpu.memref_slice %arg5[%mul3A_54, %dma_wait3A_59] : memref<425984x64xf32, #tpu.memory_space<hbm>> -> memref<128x64xf32, #tpu.memory_space<hbm>>
        %dma_wait3A_61 = arith.constant 0 : i32
        %dma_wait3A_62 = tpu.memref_slice %arg5[%mul3A_54, %dma_wait3A_61] : memref<425984x64xf32, #tpu.memory_space<hbm>> -> memref<128x64xf32, #tpu.memory_space<hbm>>
        tpu.wait_dma2 semaphore(%run_scoped3A : memref<!tpu.dma_semaphore, #tpu.memory_space<semaphore_mem>>) src(%arg9 : memref<128x64xf32, #tpu.memory_space<vmem>>) dst(%dma_wait3A_62 : memref<128x64xf32, #tpu.memory_space<hbm>>)
        tpu.yield
      }) : () -> ()
    }
    %scan3A_17 = arith.constant 52 : i32
    return
  }
}

module attributes {stable_mosaic.version = 14 : i64} {
  func.func @_repack_body(%arg0: i32, %arg1: i32, %arg2: memref<1x7144x50xf32, #tpu.memory_space<vmem>>, %arg3: memref<1x7144x50xf32, #tpu.memory_space<vmem>>, %arg4: memref<1x7144x128xf32, #tpu.memory_space<vmem>>) attributes {dimension_semantics = [#tpu.dimension_semantics<arbitrary>, #tpu.dimension_semantics<arbitrary>], iteration_bounds = array<i64: 26, 7>, scalar_prefetch = 0 : i64, scratch_operands = 0 : i64, tpu.core_type = #tpu.core_type<tc>, window_params = [{transform_indices = @transform_0, window_bounds = array<i64: 1, 7144, 50>}, {transform_indices = @transform_1, window_bounds = array<i64: 1, 7144, 50>}, {transform_indices = @transform_2, window_bounds = array<i64: 1, 7144, 128>}]} {
    %get3A = arith.constant 0 : index
    %get3A_0 = arith.constant 0 : index
    %get3A_1 = arith.constant 0 : index
    %get3A_2 = vector.load %arg2[%get3A, %get3A_0, %get3A_1] : memref<1x7144x50xf32, #tpu.memory_space<vmem>>, vector<1x7144x50xf32>
    %get3A_3 = vector.shape_cast %get3A_2 : vector<1x7144x50xf32> to vector<7144x50xf32>
    %get3A_4 = arith.constant 0 : index
    %get3A_5 = arith.constant 0 : index
    %get3A_6 = arith.constant 0 : index
    %get3A_7 = vector.load %arg3[%get3A_4, %get3A_5, %get3A_6] : memref<1x7144x50xf32, #tpu.memory_space<vmem>>, vector<1x7144x50xf32>
    %get3A_8 = vector.shape_cast %get3A_7 : vector<1x7144x50xf32> to vector<7144x50xf32>
    %broadcast_in_dim3A = arith.constant 0.000000e+00 : f32
    %broadcast_in_dim3A_9 = vector.broadcast %broadcast_in_dim3A : f32 to vector<7144x14xf32>
    %concatenate3A = tpu.concatenate %get3A_3, %broadcast_in_dim3A_9, %get3A_8, %broadcast_in_dim3A_9 in 1 : vector<7144x50xf32>, vector<7144x14xf32>, vector<7144x50xf32>, vector<7144x14xf32> -> vector<7144x128xf32>
    %swap3A = arith.constant 0 : index
    %swap3A_10 = arith.constant 0 : index
    %swap3A_11 = arith.constant 0 : index
    %swap3A_12 = vector.load %arg4[%swap3A, %swap3A_10, %swap3A_11] : memref<1x7144x128xf32, #tpu.memory_space<vmem>>, vector<1x7144x128xf32>
    %swap3A_13 = vector.shape_cast %swap3A_12 : vector<1x7144x128xf32> to vector<7144x128xf32>
    %swap3A_14 = vector.shape_cast %concatenate3A : vector<7144x128xf32> to vector<1x7144x128xf32>
    tpu.vector_store %arg4[%swap3A, %swap3A_10, %swap3A_11], %swap3A_14 {strides = array<i32>} : memref<1x7144x128xf32, #tpu.memory_space<vmem>>, vector<1x7144x128xf32>,
    return
  }
  func.func @transform_0(%arg0: i32, %arg1: i32) -> (i32, i32, i32) {
    %c0_i32 = arith.constant 0 : i32
    %c0_i32_0 = arith.constant 0 : i32
    return %arg0, %arg1, %c0_i32 : i32, i32, i32
  }
  func.func @transform_1(%arg0: i32, %arg1: i32) -> (i32, i32, i32) {
    %add3A = arith.constant 7 : i32
    %add3A_0 = arith.addi %arg1, %add3A : i32
    %c0_i32 = arith.constant 0 : i32
    %c0_i32_1 = arith.constant 0 : i32
    return %arg0, %add3A_0, %c0_i32 : i32, i32, i32
  }
  func.func @transform_2(%arg0: i32, %arg1: i32) -> (i32, i32, i32) {
    %c0_i32 = arith.constant 0 : i32
    %c0_i32_0 = arith.constant 0 : i32
    return %arg0, %arg1, %c0_i32 : i32, i32, i32
  }
}

module attributes {stable_mosaic.version = 14 : i64} {
  func.func @_stats_body(%arg0: i32, %arg1: memref<512x1664xf32, #tpu.memory_space<vmem>>, %arg2: memref<2x1664xf32, #tpu.memory_space<vmem>>) attributes {dimension_semantics = [#tpu.dimension_semantics<arbitrary>], iteration_bounds = array<i64: 32>, scalar_prefetch = 0 : i64, scratch_operands = 0 : i64, tpu.core_type = #tpu.core_type<tc>, window_params = [{transform_indices = @transform_0, window_bounds = array<i64: 512, 1664>}, {pipeline_mode = #tpu.pipeline_mode<synchronous>, transform_indices = @transform_1, window_bounds = array<i64: 2, 1664>}]} {
    %eq3A = arith.constant 0 : i32
    %eq3A_0 = arith.cmpi eq, %arg0, %eq3A : i32
    %convert_element_type3A = arith.extui %eq3A_0 : i1 to i32
    %cond3A = arith.constant 0 : i32
    %cond3A_1 = arith.cmpi ne, %convert_element_type3A, %cond3A : i32
    scf.if %cond3A_1 {
      %broadcast_in_dim3A_13 = arith.constant 0.000000e+00 : f32
      %broadcast_in_dim3A_14 = vector.broadcast %broadcast_in_dim3A_13 : f32 to vector<2x1664xf32>
      %swap3A_15 = arith.constant 0 : index
      %swap3A_16 = arith.constant 0 : index
      %swap3A_17 = vector.load %arg2[%swap3A_15, %swap3A_16] : memref<2x1664xf32, #tpu.memory_space<vmem>>, vector<2x1664xf32>
      tpu.vector_store %arg2[%swap3A_15, %swap3A_16], %broadcast_in_dim3A_14 {strides = array<i32>} : memref<2x1664xf32, #tpu.memory_space<vmem>>, vector<2x1664xf32>,
    } else {
    }
    %get3A = arith.constant 0 : index
    %get3A_2 = arith.constant 0 : index
    %get3A_3 = vector.load %arg1[%get3A, %get3A_2] : memref<512x1664xf32, #tpu.memory_space<vmem>>, vector<512x1664xf32>
    %reduce_sum3A = arith.constant dense<0.000000e+00> : vector<1664xf32>
    %reduce_sum3A_4 = vector.multi_reduction <add>, %get3A_3, %reduce_sum3A [0] : vector<512x1664xf32> to vector<1664xf32>
    %broadcast_in_dim3A = vector.shape_cast %reduce_sum3A_4 : vector<1664xf32> to vector<1x1664xf32>
    %mul3A = arith.mulf %get3A_3, %get3A_3 : vector<512x1664xf32>
    %reduce_sum3A_5 = arith.constant dense<0.000000e+00> : vector<1664xf32>
    %reduce_sum3A_6 = vector.multi_reduction <add>, %mul3A, %reduce_sum3A_5 [0] : vector<512x1664xf32> to vector<1664xf32>
    %broadcast_in_dim3A_7 = vector.shape_cast %reduce_sum3A_6 : vector<1664xf32> to vector<1x1664xf32>
    %get3A_8 = arith.constant 0 : index
    %get3A_9 = arith.constant 0 : index
    %get3A_10 = vector.load %arg2[%get3A_8, %get3A_9] : memref<2x1664xf32, #tpu.memory_space<vmem>>, vector<2x1664xf32>
    %concatenate3A = tpu.concatenate %broadcast_in_dim3A, %broadcast_in_dim3A_7 in 0 : vector<1x1664xf32>, vector<1x1664xf32> -> vector<2x1664xf32>
    %add3A = arith.addf %get3A_10, %concatenate3A : vector<2x1664xf32>
    %swap3A = arith.constant 0 : index
    %swap3A_11 = arith.constant 0 : index
    %swap3A_12 = vector.load %arg2[%swap3A, %swap3A_11] : memref<2x1664xf32, #tpu.memory_space<vmem>>, vector<2x1664xf32>
    tpu.vector_store %arg2[%swap3A, %swap3A_11], %add3A {strides = array<i32>} : memref<2x1664xf32, #tpu.memory_space<vmem>>, vector<2x1664xf32>,
    return
  }
  func.func @transform_0(%arg0: i32) -> (i32, i32) {
    %c0_i32 = arith.constant 0 : i32
    %c0_i32_0 = arith.constant 0 : i32
    return %arg0, %c0_i32 : i32, i32
  }
  func.func @transform_1(%arg0: i32) -> (i32, i32) {
    %c0_i32 = arith.constant 0 : i32
    %c0_i32_0 = arith.constant 0 : i32
    %c0_i32_1 = arith.constant 0 : i32
    return %c0_i32, %c0_i32_0 : i32, i32
  }
}

module attributes {stable_mosaic.version = 14 : i64} {
  func.func @_norm_body(%arg0: i32, %arg1: memref<512x1664xf32, #tpu.memory_space<vmem>>, %arg2: memref<2x1664xf32, #tpu.memory_space<vmem>>, %arg3: memref<1664xf32, #tpu.memory_space<vmem>>, %arg4: memref<1664xf32, #tpu.memory_space<vmem>>, %arg5: memref<512x1300xf32, #tpu.memory_space<vmem>>) attributes {dimension_semantics = [#tpu.dimension_semantics<arbitrary>], iteration_bounds = array<i64: 32>, scalar_prefetch = 0 : i64, scratch_operands = 0 : i64, tpu.core_type = #tpu.core_type<tc>, window_params = [{transform_indices = @transform_0, window_bounds = array<i64: 512, 1664>}, {pipeline_mode = #tpu.pipeline_mode<synchronous>, transform_indices = @transform_1, window_bounds = array<i64: 2, 1664>}, {pipeline_mode = #tpu.pipeline_mode<synchronous>, transform_indices = @transform_2, window_bounds = array<i64: 1664>}, {pipeline_mode = #tpu.pipeline_mode<synchronous>, transform_indices = @transform_3, window_bounds = array<i64: 1664>}, {transform_indices = @transform_4, window_bounds = array<i64: 512, 1300>}]} {
    %get3A = arith.constant 0 : index
    %get3A_0 = arith.constant 0 : index
    %get3A_1 = vector.load %arg2[%get3A, %get3A_0] : memref<2x1664xf32, #tpu.memory_space<vmem>>, vector<1x1664xf32>
    %get3A_2 = vector.shape_cast %get3A_1 : vector<1x1664xf32> to vector<1664xf32>
    %mul3A = arith.constant 6.10351563E-5 : f32
    %mul3A_3 = vector.broadcast %mul3A : f32 to vector<1664xf32>
    %mul3A_4 = arith.mulf %get3A_2, %mul3A_3 : vector<1664xf32>
    %get3A_5 = arith.constant 1 : index
    %get3A_6 = arith.constant 0 : index
    %get3A_7 = vector.load %arg2[%get3A_5, %get3A_6] : memref<2x1664xf32, #tpu.memory_space<vmem>>, vector<1x1664xf32>
    %get3A_8 = vector.shape_cast %get3A_7 : vector<1x1664xf32> to vector<1664xf32>
    %mul3A_9 = arith.constant 6.10351563E-5 : f32
    %mul3A_10 = vector.broadcast %mul3A_9 : f32 to vector<1664xf32>
    %mul3A_11 = arith.mulf %get3A_8, %mul3A_10 : vector<1664xf32>
    %mul3A_12 = arith.mulf %mul3A_4, %mul3A_4 : vector<1664xf32>
    %sub3A = arith.subf %mul3A_11, %mul3A_12 : vector<1664xf32>
    %get3A_13 = arith.constant 0 : index
    %get3A_14 = vector.load %arg3[%get3A_13] : memref<1664xf32, #tpu.memory_space<vmem>>, vector<1664xf32>
    %add3A = arith.constant 9.99999974E-6 : f32
    %add3A_15 = vector.broadcast %add3A : f32 to vector<1664xf32>
    %add3A_16 = arith.addf %sub3A, %add3A_15 : vector<1664xf32>
    %rsqrt3A = math.rsqrt %add3A_16 : vector<1664xf32>
    %mul3A_17 = arith.mulf %get3A_14, %rsqrt3A : vector<1664xf32>
    %get3A_18 = arith.constant 0 : index
    %get3A_19 = vector.load %arg4[%get3A_18] : memref<1664xf32, #tpu.memory_space<vmem>>, vector<1664xf32>
    %mul3A_20 = arith.mulf %mul3A_4, %mul3A_17 : vector<1664xf32>
    %sub3A_21 = arith.subf %get3A_19, %mul3A_20 : vector<1664xf32>
    %get3A_22 = arith.constant 0 : index
    %get3A_23 = arith.constant 0 : index
    %get3A_24 = vector.load %arg1[%get3A_22, %get3A_23] : memref<512x1664xf32, #tpu.memory_space<vmem>>, vector<512x1664xf32>
    %broadcast_in_dim3A = vector.shape_cast %mul3A_17 : vector<1664xf32> to vector<1x1664xf32>
    %mul3A_25 = vector.broadcast %broadcast_in_dim3A : vector<1x1664xf32> to vector<512x1664xf32>
    %mul3A_26 = arith.mulf %get3A_24, %mul3A_25 : vector<512x1664xf32>
    %broadcast_in_dim3A_27 = vector.shape_cast %sub3A_21 : vector<1664xf32> to vector<1x1664xf32>
    %add3A_28 = vector.broadcast %broadcast_in_dim3A_27 : vector<1x1664xf32> to vector<512x1664xf32>
    %add3A_29 = arith.addf %mul3A_26, %add3A_28 : vector<512x1664xf32>
    %slice3A = vector.extract_strided_slice %add3A_29 {offsets = [0, 0], sizes = [512, 50], strides = [1, 1]} : vector<512x1664xf32> to vector<512x50xf32>
    %slice3A_30 = vector.extract_strided_slice %add3A_29 {offsets = [0, 64], sizes = [512, 50], strides = [1, 1]} : vector<512x1664xf32> to vector<512x50xf32>
    %slice3A_31 = vector.extract_strided_slice %add3A_29 {offsets = [0, 128], sizes = [512, 50], strides = [1, 1]} : vector<512x1664xf32> to vector<512x50xf32>
    %slice3A_32 = vector.extract_strided_slice %add3A_29 {offsets = [0, 192], sizes = [512, 50], strides = [1, 1]} : vector<512x1664xf32> to vector<512x50xf32>
    %slice3A_33 = vector.extract_strided_slice %add3A_29 {offsets = [0, 256], sizes = [512, 50], strides = [1, 1]} : vector<512x1664xf32> to vector<512x50xf32>
    %slice3A_34 = vector.extract_strided_slice %add3A_29 {offsets = [0, 320], sizes = [512, 50], strides = [1, 1]} : vector<512x1664xf32> to vector<512x50xf32>
    %slice3A_35 = vector.extract_strided_slice %add3A_29 {offsets = [0, 384], sizes = [512, 50], strides = [1, 1]} : vector<512x1664xf32> to vector<512x50xf32>
    %slice3A_36 = vector.extract_strided_slice %add3A_29 {offsets = [0, 448], sizes = [512, 50], strides = [1, 1]} : vector<512x1664xf32> to vector<512x50xf32>
    %slice3A_37 = vector.extract_strided_slice %add3A_29 {offsets = [0, 512], sizes = [512, 50], strides = [1, 1]} : vector<512x1664xf32> to vector<512x50xf32>
    %slice3A_38 = vector.extract_strided_slice %add3A_29 {offsets = [0, 576], sizes = [512, 50], strides = [1, 1]} : vector<512x1664xf32> to vector<512x50xf32>
    %slice3A_39 = vector.extract_strided_slice %add3A_29 {offsets = [0, 640], sizes = [512, 50], strides = [1, 1]} : vector<512x1664xf32> to vector<512x50xf32>
    %slice3A_40 = vector.extract_strided_slice %add3A_29 {offsets = [0, 704], sizes = [512, 50], strides = [1, 1]} : vector<512x1664xf32> to vector<512x50xf32>
    %slice3A_41 = vector.extract_strided_slice %add3A_29 {offsets = [0, 768], sizes = [512, 50], strides = [1, 1]} : vector<512x1664xf32> to vector<512x50xf32>
    %slice3A_42 = vector.extract_strided_slice %add3A_29 {offsets = [0, 832], sizes = [512, 50], strides = [1, 1]} : vector<512x1664xf32> to vector<512x50xf32>
    %slice3A_43 = vector.extract_strided_slice %add3A_29 {offsets = [0, 896], sizes = [512, 50], strides = [1, 1]} : vector<512x1664xf32> to vector<512x50xf32>
    %slice3A_44 = vector.extract_strided_slice %add3A_29 {offsets = [0, 960], sizes = [512, 50], strides = [1, 1]} : vector<512x1664xf32> to vector<512x50xf32>
    %slice3A_45 = vector.extract_strided_slice %add3A_29 {offsets = [0, 1024], sizes = [512, 50], strides = [1, 1]} : vector<512x1664xf32> to vector<512x50xf32>
    %slice3A_46 = vector.extract_strided_slice %add3A_29 {offsets = [0, 1088], sizes = [512, 50], strides = [1, 1]} : vector<512x1664xf32> to vector<512x50xf32>
    %slice3A_47 = vector.extract_strided_slice %add3A_29 {offsets = [0, 1152], sizes = [512, 50], strides = [1, 1]} : vector<512x1664xf32> to vector<512x50xf32>
    %slice3A_48 = vector.extract_strided_slice %add3A_29 {offsets = [0, 1216], sizes = [512, 50], strides = [1, 1]} : vector<512x1664xf32> to vector<512x50xf32>
    %slice3A_49 = vector.extract_strided_slice %add3A_29 {offsets = [0, 1280], sizes = [512, 50], strides = [1, 1]} : vector<512x1664xf32> to vector<512x50xf32>
    %slice3A_50 = vector.extract_strided_slice %add3A_29 {offsets = [0, 1344], sizes = [512, 50], strides = [1, 1]} : vector<512x1664xf32> to vector<512x50xf32>
    %slice3A_51 = vector.extract_strided_slice %add3A_29 {offsets = [0, 1408], sizes = [512, 50], strides = [1, 1]} : vector<512x1664xf32> to vector<512x50xf32>
    %slice3A_52 = vector.extract_strided_slice %add3A_29 {offsets = [0, 1472], sizes = [512, 50], strides = [1, 1]} : vector<512x1664xf32> to vector<512x50xf32>
    %slice3A_53 = vector.extract_strided_slice %add3A_29 {offsets = [0, 1536], sizes = [512, 50], strides = [1, 1]} : vector<512x1664xf32> to vector<512x50xf32>
    %slice3A_54 = vector.extract_strided_slice %add3A_29 {offsets = [0, 1600], sizes = [512, 50], strides = [1, 1]} : vector<512x1664xf32> to vector<512x50xf32>
    %concatenate3A = tpu.concatenate %slice3A, %slice3A_30, %slice3A_31, %slice3A_32, %slice3A_33, %slice3A_34, %slice3A_35, %slice3A_36, %slice3A_37, %slice3A_38, %slice3A_39, %slice3A_40, %slice3A_41, %slice3A_42, %slice3A_43, %slice3A_44, %slice3A_45, %slice3A_46, %slice3A_47, %slice3A_48, %slice3A_49, %slice3A_50, %slice3A_51, %slice3A_52, %slice3A_53, %slice3A_54 in 1 : vector<512x50xf32>, vector<512x50xf32>, vector<512x50xf32>, vector<512x50xf32>, vector<512x50xf32>, vector<512x50xf32>, vector<512x50xf32>, vector<512x50xf32>, vector<512x50xf32>, vector<512x50xf32>, vector<512x50xf32>, vector<512x50xf32>, vector<512x50xf32>, vector<512x50xf32>, vector<512x50xf32>, vector<512x50xf32>, vector<512x50xf32>, vector<512x50xf32>, vector<512x50xf32>, vector<512x50xf32>, vector<512x50xf32>, vector<512x50xf32>, vector<512x50xf32>, vector<512x50xf32>, vector<512x50xf32>, vector<512x50xf32> -> vector<512x1300xf32>
    %swap3A = arith.constant 0 : index
    %swap3A_55 = arith.constant 0 : index
    %swap3A_56 = vector.load %arg5[%swap3A, %swap3A_55] : memref<512x1300xf32, #tpu.memory_space<vmem>>, vector<512x1300xf32>
    tpu.vector_store %arg5[%swap3A, %swap3A_55], %concatenate3A {strides = array<i32>} : memref<512x1300xf32, #tpu.memory_space<vmem>>, vector<512x1300xf32>,
    return
  }
  func.func @transform_0(%arg0: i32) -> (i32, i32) {
    %c0_i32 = arith.constant 0 : i32
    %c0_i32_0 = arith.constant 0 : i32
    return %arg0, %c0_i32 : i32, i32
  }
  func.func @transform_1(%arg0: i32) -> (i32, i32) {
    %c0_i32 = arith.constant 0 : i32
    %c0_i32_0 = arith.constant 0 : i32
    %c0_i32_1 = arith.constant 0 : i32
    return %c0_i32, %c0_i32_0 : i32, i32
  }
  func.func @transform_2(%arg0: i32) -> i32 {
    %c0_i32 = arith.constant 0 : i32
    %c0_i32_0 = arith.constant 0 : i32
    return %c0_i32 : i32
  }
  func.func @transform_3(%arg0: i32) -> i32 {
    %c0_i32 = arith.constant 0 : i32
    %c0_i32_0 = arith.constant 0 : i32
    return %c0_i32 : i32
  }
  func.func @transform_4(%arg0: i32) -> (i32, i32) {
    %c0_i32 = arith.constant 0 : i32
    %c0_i32_0 = arith.constant 0 : i32
    return %arg0, %c0_i32 : i32, i32
  }
}

</mosaic_0001>

<sc_bundles>
// kernel: kernel.6.cloned.1.call-start
scs
__scs_entry_jumppad:
0x0: {  	(pc) =	sbr.rel $0x88, $3  }
0x1: {  	(tag) =	ssettag $0x0;
	lr =	simm.s32 $0x1  }
0x2: {  	[smem:$0x3F9D] =	sst lr;
	_ =	strace $0xD0000000  }
0x3: {  	_ = 	snop  }
0x4: {  	_ = 	snop  }
0x5: {  	_ = 	snop  }
0x6: {  	_ = 	snop  }
0x7: {  	_ = 	snop  }
__scs_overlays_trampoline_lowered:
0x8: {  	[smem:$0x3FAC] =	sst s0  }
0x9: {  	[smem:$0x3FAD] =	sst s1  }
0xa: {  	[smem:$0x3FAE] =	sst s2  }
0xb: {  	[smem:$0x3FAF] =	sst s3  }
0xc: {  	[smem:$0x3FB0] =	sst s4  }
0xd: {  	[smem:$0x3FB1] =	sst s5  }
0xe: {  	[smem:$0x3FB2] =	sst s6  }
0xf: {  	[smem:$0x3FB3] =	sst s7  }
0x10: {  	[smem:$0x3FB4] =	sst s8  }
0x11: {  	[smem:$0x3FB5] =	sst s9;
	s0 =	simm.s32 @!p0 $0x0  }
0x12: {  	s1 =	sld [smem:$0x3F9B];
	s0 =	simm.s32 @p0 $0x1  }
0x13: {  	[smem:$0x3FB6] =	sst s0;
	s0 =	simm.s32 @!p1 $0x0  }
0x14: {  	s2 =	sld [smem:$0x3F9A];
	s0 =	simm.s32 @p1 $0x1  }
0x15: {  	[smem:$0x3FB7] =	sst s0;
	s0 =	simm.s32 @!p2 $0x0  }
0x16: {  	s3 =	sld [smem:$0x3FDB];
	s0 =	simm.s32 @p2 $0x1  }
0x17: {  	s4 =	simm.s32 $0x1BF5;
	[smem:$0x3FB9] =	sst s0  }
0x18: {  	s0 =	sld [smem:$0x3F9C];
	_ =	swait.ge [sflag:s4], $0x0  }
0x19: {  	s7 =	sld [smem:$0x3F9D]  }
0x1a: {  	s8 =	sadd.s32 $0xFFFFE003, lr  }
0x1b: {  	s9 =	sadd.s32 $0xFFFFFEF7, lr;
	s5 =	simm.s32 $0xFFFFFFFF;
	p2 =	slt.u32 s8, $0xFFFFF086  }
0x1c: {  	p1 =	slt.u32 s9, $0xF7A;
	s5 =	simm.s32 @!p2 $0x0  }
0x1d: {  	s5 =	simm.s32 @p1 $0x1;
	p0 =	seq.s32 s7, s2  }
0x1e: {  	s7 =	smul.u32 @!p0 $0xF7A, s2;
	p2 =	seq.s32 @!p0 s5, $0x0  }
0x1f: {  	s9 =	smul.u32 $0xF7A, s1;
	s8 =	simm.s32 @!p0 $0x1BF5;
	p2 =	por !p2, p0  }
0x20: {  	[sflag:s8] =	ssyncset.s32 @!p0 $0xFFFFF086;
	s6 =	sadd.s32 @!p0 s3, s7;
	s7 =	simm.s32 @!p0 $0x108  }
0x21: {  	s3 =	sadd.s32 s3, s9;
	s6 =	sadd.s32 @!p0 $0x88, s6;
	s7 =	simm.s32 @p2 $0x1082  }
0x22: {  	[simem:s7], [sflag:s8] =	dma.local @!p0 [hbm:s6], $0xF7A  }
0x23: {  	s9 =	sor.u32 $0xD0000000, s2;
	s6 =	simm.s32 $0x108;
	_ =	swait.ge @!p0 [sflag:s8], $0x0  }
0x24: {  	s3 =	sadd.s32 $0x88, s3;
	s6 =	simm.s32 @!p1 $0x1082;
	[sflag:s4] =	ssyncset.s32 $0xFFFFF086  }
0x25: {  	[simem:s6], [sflag:s4] =	dma.local [hbm:s3], $0xF7A  }
0x26: {  	[smem:$0x3F9D] =	sst s1;
	(tag) =	ssettag s2;
	_ =	strace s9  }
0x27: {  	s1 =	sld [smem:$0x3FAD]  }
0x28: {  	s2 =	sld [smem:$0x3FAE]  }
0x29: {  	s4 =	sld [smem:$0x3FB0]  }
0x2a: {  	p0 =	seq.s32 s5, $0x0;
	s5 =	sld [smem:$0x3FB1]  }
0x2b: {  	s6 =	sld [smem:$0x3FB2]  }
0x2c: {  	s7 =	sld [smem:$0x3FB3]  }
0x2d: {  	s3 =	simm.s32 $0x108;
	s8 =	sld [smem:$0x3FB4]  }
0x2e: {  	s3 =	simm.s32 @!p0 $0x1082;
	s9 =	sld [smem:$0x3FB5]  }
0x2f: {  	lr =	sadd.s32 s0, s3;
	s0 =	sld [smem:$0x3FAC]  }
0x30: {  	s3 =	sld [smem:$0x3FAF]  }
0x31: {  	[smem:$0x3FB8] =	sst s10  }
0x32: {  	s10 =	sld [smem:$0x3FB6];
	_ =	sdelay $0x3  }
0x33: {  	p0 =	seq.s32 s10, $0x1;
	s10 =	sld [smem:$0x3FB8];
	_ =	sdelay $0x3  }
0x34: {  	[smem:$0x3FB8] =	sst s10  }
0x35: {  	s10 =	sld [smem:$0x3FB7];
	_ =	sdelay $0x3  }
0x36: {  	p1 =	seq.s32 s10, $0x1;
	s10 =	sld [smem:$0x3FB8];
	_ =	sdelay $0x3  }
0x37: {  	[smem:$0x3FB8] =	sst s10  }
0x38: {  	s10 =	sld [smem:$0x3FB9]  }
0x39: {  	_ = 	snop;
	(pc) =	sbr.ind lr, $3  }
0x3a: {  	_ = 	snop  }
0x3b: {  	_ = 	snop  }
0x3c: {  	p2 =	seq.s32 s10, $0x1;
	s10 =	sld [smem:$0x3FB8]  }
0x3d: {  	_ =	shalt  }
0x3e: {  	_ =	shalt  }
0x3f: {  	_ =	shalt  }
0x40: {  	_ =	shalt  }
0x41: {  	_ =	shalt  }
0x42: {  	_ =	shalt  }
0x43: {  	_ =	shalt  }
0x44: {  	_ =	shalt  }
0x45: {  	_ =	shalt  }
0x46: {  	_ =	shalt  }
0x47: {  	_ =	shalt  }
0x48: {  	_ =	shalt  }
0x49: {  	_ =	shalt  }
0x4a: {  	_ =	shalt  }
0x4b: {  	_ =	shalt  }
0x4c: {  	_ =	shalt  }
0x4d: {  	_ =	shalt  }
0x4e: {  	_ =	shalt  }
0x4f: {  	_ =	shalt  }
0x50: {  	_ =	shalt  }
0x51: {  	_ =	shalt  }
0x52: {  	_ =	shalt  }
0x53: {  	_ =	shalt  }
0x54: {  	_ =	shalt  }
0x55: {  	_ =	shalt  }
0x56: {  	_ =	shalt  }
0x57: {  	_ =	shalt  }
0x58: {  	_ =	shalt  }
0x59: {  	_ =	shalt  }
0x5a: {  	_ =	shalt  }
0x5b: {  	_ =	shalt  }
0x5c: {  	_ =	shalt  }
0x5d: {  	_ =	shalt  }
0x5e: {  	_ =	shalt  }
0x5f: {  	_ =	shalt  }
0x60: {  	_ =	shalt  }
0x61: {  	_ =	shalt  }
0x62: {  	_ =	shalt  }
0x63: {  	_ =	shalt  }
0x64: {  	_ =	shalt  }
0x65: {  	_ =	shalt  }
0x66: {  	_ =	shalt  }
0x67: {  	_ =	shalt  }
0x68: {  	_ =	shalt  }
0x69: {  	_ =	shalt  }
0x6a: {  	_ =	shalt  }
0x6b: {  	_ =	shalt  }
0x6c: {  	_ =	shalt  }
0x6d: {  	_ =	shalt  }
0x6e: {  	_ =	shalt  }
0x6f: {  	_ =	shalt  }
0x70: {  	_ =	shalt  }
0x71: {  	_ =	shalt  }
0x72: {  	_ =	shalt  }
0x73: {  	_ =	shalt  }
0x74: {  	_ =	shalt  }
0x75: {  	_ =	shalt  }
0x76: {  	_ =	shalt  }
0x77: {  	_ =	shalt  }
0x78: {  	_ =	shalt  }
0x79: {  	_ =	shalt  }
0x7a: {  	_ =	shalt  }
0x7b: {  	_ =	shalt  }
0x7c: {  	_ =	shalt  }
0x7d: {  	_ =	shalt  }
0x7e: {  	_ =	shalt  }
0x7f: {  	_ =	shalt  }
0x80: {  	_ =	shalt  }
0x81: {  	_ =	shalt  }
0x82: {  	_ =	shalt  }
0x83: {  	_ =	shalt  }
0x84: {  	_ =	shalt  }
0x85: {  	_ =	shalt  }
0x86: {  	_ =	shalt  }
0x87: {  	_ =	shalt  }
.Lfunc_end0:
.L_simem_size_0:
called_computation_lowered:
.L_overlay_start_0:
0x88: {  	s2 =	sld [smem:$0x3FD9]  }
0x89: {  	s3 =	sld [smem:$0x3FFE];
	_ =	sdelay $0x1  }
0x8a: {  	s1 =	srdreg.scid  }
0x8b: {  	s0 =	sand.u32 $0x1, s1  }
0x8c: {  	s17 =	sshll.u32 s0, $0xA;
	s2 =	sadd.s32 s3, s2  }
0x8d: {  	s2 =	sadd.s32 s2, s17  }
0x8e: {  	[smem:$0x3FC4] =	sst s2  }
0x8f: {  	_ = 	snop  }
0x90: {  	s2 =	sld [smem:$0x3FD0];
	(tm) =	ssettm $0x1  }
0x91: {  	s18 =	sld [smem:$0x3FFB];
	_ =	sdelay $0x3  }
0x92: {  	_ =	strace s18  }
0x93: {  	s3 =	sld [smem:$0x3FFC];
	_ =	sdelay $0x3  }
0x94: {  	_ =	strace s3  }
0x95: {  	s3 =	sld [smem:$0x3FFD];
	_ =	sdelay $0x3  }
0x96: {  	_ =	strace s3  }
0x97: {  	_ =	strace $0x8FFFFFFF  }
0x98: {  	s19 =	sld [smem:$0x3FDB];
	_ =	sdelay $0x1  }
0x99: {  	s4 =	simm.s32 $_scs_section_size  }
0x9a: {  	s5 =	simm.s32 $_size__tile_overlayer_lowered;
	s6 =	simm.s32 $_tile_overlayer_lowered  }
0x9b: {  	s22 =	simm.s32 $0x1BFF;
	s21 =	sshll.u32 s6, $0x1;
	s3 =	sadd.s32 s4, s19  }
0x9c: {  	s7 =	simm.s32 $0x0;
	s20 =	sshll.u32 s5, $0x1;
	s5 =	sadd.s32 s21, s3  }
0x9d: {  	[timem:s7], [sflag:s22] =	dma.local [hbm:s5], s20  }
0x9e: {  	_ =	swait.ge [sflag:s22], s20  }
0x9f: {  	s4 =	ssub.s32 $0x0, s20;
	[sflag:s22] =	ssyncset.done $0x0  }
0xa0: {  	[sflag:s22] =	ssyncadd.s32 s4;
	_ =	sdelay $0x1  }
0xa1: {  	s23 =	simm.s32 $0x1B8B  }
0xa2: {  	_ =	swait.ge [sflag:s23], $0x1  }
0xa3: {  	[sflag:s23] =	ssyncset.done $0x0  }
0xa4: {  	s25 =	simm.s32 $0x1B8E;
	s24 =	sld [smem:$0x3FFE];
	[sflag:s23] =	ssyncadd.s32 $0xFFFFFFFF  }
0xa5: {  	s26 =	simm.s32 $execute0_lowered;
	[smem:$0x3FD2] =	sst s25  }
0xa6: {  	s5 =	sshll.u32 s26, $0x1;
	_ =	strace $0x80000046;
	[dreg:$0x1] =	wrdreg $0xFFFFFFFF  }
0xa7: {  	s28 =	simm.s32 $_size_execute0_lowered;
	s3 =	sadd.s32 s3, s5;
	[dreg:$0x0] =	wrdreg $0x0  }
0xa8: {  	s5 =	sshll.u32 s28, $0x1;
	[dreg:$0x2] =	wrdreg s3  }
0xa9: {  	[dreg:$0x3] =	wrdreg s5  }
0xaa: {  	[dreg:$0x4] =	wrdreg $0xC0  }
0xab: {  	_ =	task [dreg:s7], $0x5FFFF  }
0xac: {  	[dreg:$0x1] =	wrdreg $0xFFFFFFFF  }
0xad: {  	[dreg:$0x0] =	wrdreg $0x60  }
0xae: {  	[dreg:$0x2] =	wrdreg s2  }
0xaf: {  	[dreg:$0x3] =	wrdreg s24  }
0xb0: {  	[dreg:$0x4] =	wrdreg $0x9  }
0xb1: {  	_ =	task.clear_ibuf [dreg:s7], $0x5FFFF;
	_ =	strace $0x90000046  }
0xb2: {  	s29 =	simm.s32 $0x9;
	_ =	strace $0x80000048  }
0xb3: {  	_ =	swait.ge [sflag:s29], $0x1  }
0xb4: {  	[sflag:s29] =	ssyncadd.s32 $0xFFFFFFFF  }
0xb5: {  	_ =	strace $0x90000048  }
0xb6: {  	_ =	sfence  }
0xb7: {  	s30 =	sld [smem:$0x0];
	_ =	sdelay $0x2  }
0xb8: {  	s31 =	sshll.u32 s1, $0xD;
	s1 =	sshrl.u32 s1, $0x2  }
0xb9: {  	s3 =	sand.u32 $0x4000, s31;
	s1 =	sadd.s32 s1, s30  }
0xba: {  	s0 =	sor.u32 s3, s0;
	s1 =	sshll.u32 s1, $0x11  }
0xbb: {  	s0 =	sor.u32 s1, s0  }
0xbc: {  	s0 =	sadd.s32 $0x8F2B, s0  }
0xbd: {  	[sflag:s0] =	ssyncadd.remote.s32 $0x1  }
0xbe: {  	_ =	sfence.sel $0xFFFF  }
0xbf: {  	[dreg:$0x0] =	wrdreg $0xFFFFFFFF;
	(pc) =	sbr.abs _section_cstart, $3  }
0xc0: {  	[dreg:$0x1] =	wrdreg $0xFFFFFFFF  }
0xc1: {  	_ =	task.clear_ibuf [dreg:s7], $0x2FFFF;
	_ =	strace $0x9FFFFFFF  }
0xc2: {  	(tm) =	ssettm $0x7FFFFFFF  }
0xc3: {  	_ =	shalt  }
tec
execute0_lowered:
.L_overlay_start_1:
0x0: {  	(tag) =	ssettag $0x1  }
0x1: {  	s5 =	rddreg [dreg:$0x0]  }
0x2: {  	s6 =	rddreg [dreg:$0x1]  }
0x3: {  	s0 =	rddreg [dreg:$0x2];
	s3 =	srdreg.scid  }
0x4: {  	s1 =	stileid.u32;
	s2 =	simm.s32 $0x0;
	s14 =	simm.s32 $0x80  }
0x5: {  	s15 =	simm.s32 $0x8800;
	s16 =	simm.s32 $0x1;
	s17 =	simm.s32 $0x2  }
0x6: {  	s18 =	simm.s32 $0x3380;
	s19 =	simm.s32 $0x0;
	s11 =	smul.u32 $0xD0, s1  }
0x7: {  	s7 =	sand.u32 $0x1, s3;
	s26 =	sshll.u32 s1, $0x1;
	s30 =	smul.u32 $0x34000, s1  }
0x8: {  	[smem:$0x7FF] =	sst s2;
	s3 =	sadd.s32 $0xC00, s6;
	s13 =	smul.u32 $0x68, s7  }
0x9: {  	s4 =	sadd.s32 $0x27ADE00, s6;
	s8 =	sor.u32 s7, s26;
	s31 =	smul.u32 $0x1A000, s7  }
0xa: {  	s12 =	sadd.s32 $0x1400, s6;
	s10 =	ssub.s32 $0x2, s7;
	s9 =	smul.u32 $0x680, s8  }
0xb: {  	_ =	strace $0x80000047;
	s28 =	sshrl.u32 s10, $0x1;
	s8 =	smul.u32 $0x1A000, s8  }
0xc: {  	s6 =	ssub.s32 s10, s28;
	s29 =	sadd.s32 s13, s11;
	s10 =	sadd.s32 s30, s12  }
0xd: {  	s11 =	simm.s32 $0x3;
	s13 =	simm.s32 $0x6800;
	s5 =	sadd.s32 s5, s9  }
0xe: {  	s6 =	smax.u32 s6, $0x1;
	s8 =	sadd.s32 s12, s8;
	s9 =	sshll.u32 s29, $0xA  }
0xf: {  	s10 =	sadd.s32 s31, s10;
	s7 =	sadd.s32 $0x19800, s8;
	s9 =	sadd.s32 s9, s12  }
0x10: {  	v0 =	vimm.s32 $0x0;
	s8 =	sadd.s32 $0x19C00, s8;
	s12 =	simm.s32 $0x3400;
	s9 =	sadd.s32 $0x400, s9  }
.LBB2_1:
0x11: {  	[tilespmem:s2], [sflag:$0x3] =	stream.linear.gather [hbm4b:s5+s2], $0x3400, $0x38;
	[tilespmem:$0xA800] =	vst v63  }
0x12: {  	_ =	swait.ge [sflag:s11], $0x3400  }
0x13: {  	[sflag:s11] =	ssyncset.done $0x0  }
0x14: {  	[sflag:s11] =	ssyncadd.s32 $0xFFFFCC00  }
0x15: {  	[tilespmem:s12], [sflag:$0x3] =	stream.linear.gather [hbm4b:s3+s2], $0x3400, $0x38;
	[tilespmem:$0xA800] =	vst v63  }
0x16: {  	_ =	swait.ge [sflag:s11], $0x3400  }
0x17: {  	[sflag:s11] =	ssyncset.done $0x0  }
0x18: {  	s20 =	simm.s32 $0x0;
	[sflag:s11] =	ssyncadd.s32 $0xFFFFCC00  }
0x19: {  	v1 =	vld [tilespmem:s20+$0x70]  }
0x1a: {  	v4 =	vld [tilespmem:s20+$0x60]  }
0x1b: {  	v9 =	vld [tilespmem:s20+$0x20]  }
0x1c: {  	v11 =	vld [tilespmem:s20+$0x10]  }
0x1d: {  	v3 =	vld [tilespmem:s20+$0x40];
	_ =	sdelay $0x1  }
0x1e: {  	v2 =	vld [tilespmem:s20+$0x0];
	_ =	sdelay $0x1  }
0x1f: {  	v5 =	vadd.s32 $0xFFFF3CA8, v4;
	v6 =	vadd.s32 $0xFFFF3CA8, v1  }
0x20: {  	v8 =	vadd.s32 $0xFFFF3CA8, v11;
	v7 =	vadd.s32 $0xFFFF3CA8, v9;
	v15 =	vadd.s32 $0xFFFF3CA8, v3  }
0x21: {  	v10 =	vld [tilespmem:s20+$0x3440];
	vm0 =	vgt.s32 v5, $0xFFFFFFFF;
	vm1 =	vgt.s32 v7, $0xFFFFFFFF;
	vm2 =	vgt.s32 v6, $0xFFFFFFFF  }
0x22: {  	v5 =	vld [tilespmem:s20+$0x3470];
	v6 =	vadd.s32 $0xFFFF3CA8, v2;
	vm3 =	vgt.s32 v8, $0xFFFFFFFF;
	v7 =	vsel vm0, $0x7FFF3CA8, v0  }
0x23: {  	v14 =	vld [tilespmem:s20+$0x3420];
	v12 =	vsel vm2, $0x1, v0;
	v13 =	vsel vm2, $0x7FFF3CA8, v0;
	vm2 =	vgt.s32 v15, $0xFFFFFFFF  }
0x24: {  	vm4 =	vgt.s32 v6, $0xFFFFFFFF;
	v15 =	vsel vm3, $0x7FFF3CA8, v0;
	v7 =	vadd.s32 v4, v7;
	v4 =	vld [tilespmem:s20+$0x50]  }
0x25: {  	v17 =	vsel vm1, $0x7FFF3CA8, v0;
	v18 =	vsel vm3, $0x1, v0;
	v1 =	vadd.s32 v1, v13;
	v13 =	vld [tilespmem:s20+$0x3460]  }
0x26: {  	v16 =	vld [tilespmem:s20+$0x3410];
	v8 =	vsel vm2, $0x1, v0;
	v17 =	vadd.s32 v9, v17;
	v7 =	vshll.u32 v7, $0x1  }
0x27: {  	v6 =	vadd.s32 v8, v10;
	v10 =	vsel vm1, $0x1, v0;
	v12 =	vadd.s32 v12, v5;
	v5 =	vld [tilespmem:s20+$0x30]  }
0x28: {  	v1 =	vshll.u32 v1, $0x1;
	v8 =	vsel vm4, $0x1, v0;
	v9 =	vadd.s32 v10, v14  }
0x29: {  	v14 =	vsel vm0, $0x1, v0;
	v10 =	vshll.u32 v17, $0x1;
	v17 =	vadd.s32 v11, v15;
	v11 =	vld [tilespmem:s20+$0x3400]  }
0x2a: {  	v12 =	vadd.s32 v1, v12;
	v19 =	vadd.s32 $0xFFFF3CA8, v4;
	v15 =	vadd.s32 v14, v13  }
0x2b: {  	v13 =	vshll.u32 v17, $0x1;
	v14 =	vadd.s32 v18, v16;
	v16 =	vsel vm2, $0x7FFF3CA8, v0  }
0x2c: {  	s21 =	simm.s32 $0x200;
	v1 =	vld [tilespmem:s20+$0x3450];
	[tilespmem:s20+$0x70] =	vst v12;
	v17 =	vsel vm4, $0x7FFF3CA8, v0;
	vm0 =	vgt.s32 v19, $0xFFFFFFFF;
	v12 =	vadd.s32 $0xFFFF3CA8, v5  }
.LBB2_2:
0x2d: {  	s22 =	sshra.s32 s21, $0x2;
	p0 =	sne.s32 s21, $0xCE00;
	s21 =	sadd.s32 $0x200, s21;
	v2 =	vadd.s32 v2, v17;
	v17 =	vld [tilespmem:s20+$0x3430];
	v3 =	vadd.s32 v3, v16;
	v7 =	vadd.s32 v7, v15  }
0x2e: {  	v9 =	vadd.s32 v10, v9;
	v15 =	vld [tilespmem:s22+$0x70];
	v8 =	vadd.s32 v8, v11;
	v11 =	vadd.s32 v13, v14;
	[tilespmem:s20+$0x60] =	vst v7  }
0x2f: {  	v2 =	vshll.u32 v2, $0x1;
	v3 =	vshll.u32 v3, $0x1;
	v7 =	vld [tilespmem:s22+$0x60];
	[tilespmem:s20+$0x20] =	vst v9  }
0x30: {  	vm1 =	vgt.s32 v12, $0xFFFFFFFF;
	v3 =	vadd.s32 v3, v6;
	v6 =	vsel vm0, $0x7FFF3CA8, v0;
	v9 =	vld [tilespmem:s22+$0x20];
	[tilespmem:s20+$0x10] =	vst v11  }
0x31: {  	v2 =	vadd.s32 v2, v8;
	v4 =	vadd.s32 v4, v6;
	v12 =	vld [tilespmem:s22+$0x10];
	[tilespmem:s20+$0x40] =	vst v3;
	v3 =	vsel vm0, $0x1, v0  }
0x32: {  	v6 =	vsel vm1, $0x7FFF3CA8, v0;
	v4 =	vshll.u32 v4, $0x1;
	[tilespmem:s20+$0x0] =	vst v2;
	v3 =	vadd.s32 v3, v1;
	v1 =	vld [tilespmem:s22+$0x3450]  }
0x33: {  	v8 =	vsel vm1, $0x1, v0;
	v5 =	vadd.s32 v5, v6;
	v2 =	vld [tilespmem:s22+$0x0];
	v4 =	vadd.s32 v4, v3  }
0x34: {  	v5 =	vshll.u32 v5, $0x1;
	v6 =	vadd.s32 v8, v17;
	v3 =	vld [tilespmem:s22+$0x40];
	[tilespmem:s20+$0x50] =	vst v4  }
0x35: {  	v8 =	vadd.s32 $0xFFFF3CA8, v15;
	v5 =	vadd.s32 v5, v6;
	v4 =	vadd.s32 $0xFFFF3CA8, v7  }
0x36: {  	v10 =	vadd.s32 $0xFFFF3CA8, v9;
	vm0 =	vgt.s32 v4, $0xFFFFFFFF;
	v6 =	vadd.s32 $0xFFFF3CA8, v12;
	v11 =	vld [tilespmem:s22+$0x3470];
	[tilespmem:s20+$0x30] =	vst v5;
	s20 =	smov.u32 s22  }
0x37: {  	vm1 =	vgt.s32 v8, $0xFFFFFFFF;
	vm2 =	vgt.s32 v10, $0xFFFFFFFF;
	v10 =	vsel vm0, $0x7FFF3CA8, v0;
	v5 =	vld [tilespmem:s20+$0x3440]  }
0x38: {  	v13 =	vsel vm1, $0x1, v0;
	v14 =	vsel vm1, $0x7FFF3CA8, v0;
	v8 =	vadd.s32 $0xFFFF3CA8, v2;
	v4 =	vld [tilespmem:s20+$0x50]  }
0x39: {  	v7 =	vadd.s32 v7, v10;
	v10 =	vadd.s32 v15, v14;
	v16 =	vld [tilespmem:s20+$0x3420];
	v17 =	vadd.s32 $0xFFFF3CA8, v3  }
0x3a: {  	v7 =	vshll.u32 v7, $0x1;
	v14 =	vshll.u32 v10, $0x1;
	vm1 =	vgt.s32 v17, $0xFFFFFFFF  }
0x3b: {  	vm3 =	vgt.s32 v6, $0xFFFFFFFF;
	v6 =	vsel vm1, $0x1, v0;
	v15 =	vld [tilespmem:s20+$0x3460];
	v13 =	vadd.s32 v13, v11  }
0x3c: {  	vm4 =	vgt.s32 v8, $0xFFFFFFFF;
	v17 =	vsel vm3, $0x7FFF3CA8, v0;
	v18 =	vld [tilespmem:s20+$0x3410];
	v6 =	vadd.s32 v6, v5  }
0x3d: {  	v10 =	vsel vm2, $0x1, v0;
	v8 =	vsel vm4, $0x1, v0;
	v11 =	vsel vm2, $0x7FFF3CA8, v0;
	v5 =	vld [tilespmem:s20+$0x30]  }
.Ltmp0:
0x3e: {  	v19 =	vadd.s32 v9, v11;
	v9 =	vadd.s32 v10, v16;
	v16 =	vsel vm0, $0x1, v0;
	(pc) =	sbr.rel @p0 .LBB2_2-.Ltmp0, $4  }
0x3f: {  	v20 =	vsel vm3, $0x1, v0;
	v10 =	vshll.u32 v19, $0x1;
	v19 =	vadd.s32 v14, v13;
	v11 =	vld [tilespmem:s20+$0x3400]  }
0x40: {  	v12 =	vadd.s32 v12, v17;
	v21 =	vadd.s32 $0xFFFF3CA8, v4;
	v15 =	vadd.s32 v16, v15  }
0x41: {  	v13 =	vshll.u32 v12, $0x1;
	v16 =	vsel vm1, $0x7FFF3CA8, v0;
	v14 =	vadd.s32 v20, v18;
	[tilespmem:s20+$0x70] =	vst v19  }
0x42: {  	v17 =	vsel vm4, $0x7FFF3CA8, v0;
	vm0 =	vgt.s32 v21, $0xFFFFFFFF;
	v12 =	vadd.s32 $0xFFFF3CA8, v5  }
0x43: {  	v2 =	vadd.s32 v2, v17  }
0x44: {  	v3 =	vadd.s32 v3, v16;
	v7 =	vadd.s32 v7, v15;
	v13 =	vadd.s32 v13, v14  }
0x45: {  	v60 =	vld [tilespmem:s20+$0x3430];
	v9 =	vadd.s32 v10, v9;
	vm1 =	vgt.s32 v12, $0xFFFFFFFF;
	v61 =	vsel vm0, $0x7FFF3CA8, v0  }
0x46: {  	v62 =	vsel vm0, $0x1, v0;
	v8 =	vadd.s32 v8, v11;
	v2 =	vshll.u32 v2, $0x1;
	[tilespmem:s20+$0x60] =	vst v7  }
0x47: {  	v3 =	vshll.u32 v3, $0x1;
	[tilespmem:s20+$0x20] =	vst v9;
	v4 =	vadd.s32 v4, v61;
	v63 =	vsel vm1, $0x7FFF3CA8, v0  }
0x48: {  	[tilespmem:s20+$0x10] =	vst v13;
	v1 =	vadd.s32 v62, v1;
	v3 =	vadd.s32 v3, v6;
	v2 =	vadd.s32 v2, v8  }
0x49: {  	v4 =	vshll.u32 v4, $0x1;
	v5 =	vadd.s32 v5, v63;
	[tilespmem:s20+$0x40] =	vst v3;
	v3 =	vsel vm1, $0x1, v0  }
0x4a: {  	[tilespmem:s20+$0x0] =	vst v2;
	v1 =	vadd.s32 v4, v1;
	v2 =	vshll.u32 v5, $0x1;
	v3 =	vadd.s32 v3, v60  }
0x4b: {  	[tilespmem:s20+$0x50] =	vst v1;
	v1 =	vadd.s32 v2, v3  }
0x4c: {  	s21 =	simm.s32 $0x0;
	[tilespmem:s20+$0x30] =	vst v1;
	s20 =	simm.s32 $0x80  }
0x4d: {  	[tilespmem:s13], [sflag:$0x1] =	stream.indirect.gather [hbm4b:s4+s20], $0x40, s21, s20, $0xb8;
	[tilespmem:$0xA800] =	vst v63  }
0x4e: {  	_ = 	snop  }
0x4f: {  	[tilespmem:s15], [sflag:$0x2] =	stream.indirect.gather [hbm4b:s4+s14], $0x40, s20, s14, $0xb8;
	[tilespmem:$0xA800] =	vst v63  }
0x50: {  	_ =	swait.ge [sflag:s16], $0x2000  }
0x51: {  	[sflag:s16] =	ssyncset.done $0x0  }
0x52: {  	s29 =	sadd.s32 $0x0, s10;
	[sflag:s16] =	ssyncadd.s32 $0xFFFFE000  }
0x53: {  	[hbm4b:s29+s2] =	stream.linear.scatter [tilespmem:s13], [sflag:$0x3], $0x2000, $0x38;
	[tilespmem:$0xA800] =	vst v63  }
0x54: {  	_ =	swait.ge [sflag:s11], $0x2000  }
0x55: {  	[sflag:s11] =	ssyncset.done $0x0  }
0x56: {  	s30 =	simm.s32 $0x100;
	[sflag:s11] =	ssyncadd.s32 $0xFFFFE000  }
0x57: {  	[tilespmem:s13], [sflag:$0x1] =	stream.indirect.gather [hbm4b:s4+s14], $0x40, s30, s14, $0xb8;
	[tilespmem:$0xA800] =	vst v63  }
0x58: {  	_ =	swait.ge [sflag:s17], $0x2000  }
0x59: {  	[sflag:s17] =	ssyncset.done $0x0  }
0x5a: {  	s31 =	sadd.s32 $0x0, s9;
	[sflag:s17] =	ssyncadd.s32 $0xFFFFE000  }
0x5b: {  	[hbm4b:s31+s2] =	stream.linear.scatter [tilespmem:s15], [sflag:$0x3], $0x2000, $0x38;
	[tilespmem:$0xA800] =	vst v63  }
0x5c: {  	_ =	swait.ge [sflag:s11], $0x2000  }
0x5d: {  	s21 =	simm.s32 $0x800;
	[sflag:s11] =	ssyncset.done $0x0  }
.LBB2_4:
0x5e: {  	p0 =	sne.s32 s21, $0x19000;
	[sflag:s11] =	ssyncadd.s32 $0xFFFFE000;
	s20 =	sadd.s32 $0x100, s20  }
0x5f: {  	[tilespmem:s15], [sflag:$0x2] =	stream.indirect.gather [hbm4b:s4+s14], $0x40, s20, s14, $0xb8;
	[tilespmem:$0xA800] =	vst v63  }
0x60: {  	s22 =	smov.u32 s21;
	s21 =	sadd.s32 $0x800, s21;
	_ =	swait.ge [sflag:s16], $0x2000  }
0x61: {  	[sflag:s16] =	ssyncset.done $0x0  }
0x62: {  	s23 =	sadd.s32 s22, s10;
	[sflag:s16] =	ssyncadd.s32 $0xFFFFE000  }
0x63: {  	[hbm4b:s23+s2] =	stream.linear.scatter [tilespmem:s13], [sflag:$0x3], $0x2000, $0x38;
	[tilespmem:$0xA800] =	vst v63  }
0x64: {  	_ =	swait.ge [sflag:s11], $0x2000  }
0x65: {  	[sflag:s11] =	ssyncset.done $0x0  }
0x66: {  	s23 =	sadd.s32 $0x80, s20;
	[sflag:s11] =	ssyncadd.s32 $0xFFFFE000  }
0x67: {  	[tilespmem:s13], [sflag:$0x1] =	stream.indirect.gather [hbm4b:s4+s14], $0x40, s23, s14, $0xb8;
	[tilespmem:$0xA800] =	vst v63  }
0x68: {  	_ =	swait.ge [sflag:s17], $0x2000  }
.Ltmp1:
0x69: {  	[sflag:s17] =	ssyncset.done $0x0;
	(pc) =	sbr.rel @p0 .LBB2_4-.Ltmp1, $4  }
0x6a: {  	s22 =	sadd.s32 s22, s9;
	[sflag:s17] =	ssyncadd.s32 $0xFFFFE000  }
0x6b: {  	[hbm4b:s22+s2] =	stream.linear.scatter [tilespmem:s15], [sflag:$0x3], $0x2000, $0x38;
	[tilespmem:$0xA800] =	vst v63  }
0x6c: {  	_ =	swait.ge [sflag:s11], $0x2000  }
0x6d: {  	[sflag:s11] =	ssyncset.done $0x0  }
0x6e: {  	[sflag:s11] =	ssyncadd.s32 $0xFFFFE000  }
0x6f: {  	[tilespmem:s15], [sflag:$0x2] =	stream.indirect.gather [hbm4b:s4+s14], $0x40, s18, s14, $0xb8;
	[tilespmem:$0xA800] =	vst v63  }
0x70: {  	_ =	swait.ge [sflag:s16], $0x2000  }
0x71: {  	[sflag:s16] =	ssyncset.done $0x0  }
0x72: {  	[sflag:s16] =	ssyncadd.s32 $0xFFFFE000  }
0x73: {  	[hbm4b:s7+s2] =	stream.linear.scatter [tilespmem:s13], [sflag:$0x3], $0x2000, $0x38;
	[tilespmem:$0xA800] =	vst v63  }
0x74: {  	_ =	swait.ge [sflag:s11], $0x2000  }
0x75: {  	[sflag:s11] =	ssyncset.done $0x0  }
0x76: {  	[sflag:s11] =	ssyncadd.s32 $0xFFFFE000  }
0x77: {  	s19 =	sadd.s32 $0x1, s19;
	_ =	swait.ge [sflag:s17], $0x2000  }
0x78: {  	p0 =	sne.s32 s19, s6;
	[sflag:s17] =	ssyncset.done $0x0  }
.Ltmp2:
0x79: {  	[sflag:s17] =	ssyncadd.s32 $0xFFFFE000;
	(pc) =	sbr.rel @p0 .LBB2_1-.Ltmp2, $4  }
0x7a: {  	[hbm4b:s8+s2] =	stream.linear.scatter [tilespmem:s15], [sflag:$0x3], $0x2000, $0x38;
	[tilespmem:$0xA800] =	vst v63  }
0x7b: {  	_ =	swait.ge [sflag:s11], $0x2000  }
0x7c: {  	[sflag:s11] =	ssyncset.done $0x0  }
0x7d: {  	[sflag:s11] =	ssyncadd.s32 $0xFFFFE000  }
0x7e: {  	_ =	sfence.sel $0x180000  }
0x7f: {  	[bflag:$0x0] =	sbarrier.arrive $0xFFFF  }
0x80: {  	p0 =	sne.s32 s1, $0x0;
	_ =	strace $0x90000047  }
0x81: {  	s0 =	sadd.s32 @!p0 $0x100000, s0;
	[bflag:$0x2] =	sbarrier.arrive $0xFFFF  }
0x82: {  	[sflag:s0] =	ssyncadd.tile.s32 @!p0 $0x1;
	_ =	shalt  }
.Lfunc_end2:
_tile_overlayer_lowered:
.L_overlay_start_2:
0x83: {  	(tag) =	ssettag $0x2  }
0x84: {  	s0 =	rddreg [dreg:$0x0];
	s2 =	stileid.u32  }
0x85: {  	s1 =	rddreg [dreg:$0x1];
	p0 =	sne.s32 s2, $0x0  }
0x86: {  	s3 =	rddreg [dreg:$0x2];
	[bflag:$0x3] =	sbarrier.arrive $0xFFFF;
	s2 =	simm.s32 @!p0 $0x1C03  }
0x87: {  	[timem:s3], [sflag:s2] =	dma.local @!p0 [hbm:s0], s1  }
0x88: {  	s0 =	simm.s32 @!p0 $0x3  }
0x89: {  	_ =	swait.ge @!p0 [sflag:s0], s1  }
0x8a: {  	s1 =	ssub.s32 @!p0 $0x0, s1;
	[sflag:s0] =	ssyncset.done @!p0 $0x0  }
0x8b: {  	[sflag:s0] =	ssyncadd.s32 @!p0 s1  }
0x8c: {  	[bflag:$0x3] =	sbarrier.arrive $0xFFFF  }
0x8d: {  	_ =	shalt  }

</sc_bundles>
